<compile_context>
chip_gen: v7x
topology: tpu7x:2x2x1
jax: 0.10.2.dev20260603
libtpu: 0.0.44.dev20260713+nightly
codegen_flags: <defaults>
</compile_context>

<pallas_src>
import functools

import jax
import jax.numpy as jnp
from jax import lax
from jax.experimental import pallas as pl
from jax.experimental.pallas import tpu as pltpu
from jax.experimental.pallas import tpu_sc as plsc

R = 16384
C = 1000
NC, NS, L = 2, 16, 16
NW = NC * NS

SC_NT = 8
SC_ROWS = NW * SC_NT * L
TC_ROWS = R - SC_ROWS
SC_TILES = SC_ROWS // L

NPAIR = SC_NT // 2
TW = L * C
A = 4
SEG = C // A
Q = 5

BR = 512

_mesh = plsc.VectorSubcoreMesh(core_axis_name="c", subcore_axis_name="s")


@functools.partial(
    pl.kernel,
    out_type=jax.ShapeDtypeStruct((SC_TILES, TW), jnp.float32),
    mesh=_mesh,
    scratch_types=[
        pltpu.VMEM((TW,), jnp.float32),
        pltpu.VMEM((TW,), jnp.float32),
        pltpu.VMEM((TW,), jnp.float32),
        pltpu.VMEM((TW,), jnp.float32),
        pltpu.SemaphoreType.DMA,
        pltpu.SemaphoreType.DMA,
        pltpu.SemaphoreType.DMA,
        pltpu.SemaphoreType.DMA,
    ],
    compiler_params=pltpu.CompilerParams(needs_layout_passes=False),
)
def _onehot_sc(x_hbm, out_hbm, xa, xb, oa, ob, sxa, sxb, soa, sob):
    wid = lax.axis_index("s") * NC + lax.axis_index("c")
    lane_base = lax.iota(jnp.int32, L) * C
    zeros = jnp.zeros((L,), jnp.float32)
    ones = jnp.ones((L,), jnp.float32)
    minf = jnp.full((L,), -jnp.inf, jnp.float32)
    wtile = wid * SC_NT

    def start_x(tid, xv, sx):
        pltpu.async_copy(x_hbm.at[tid], xv, sx)

    def wait_x(tid, xv, sx):
        pltpu.make_async_copy(x_hbm.at[tid], xv, sx).wait()

    def start_out(tid, ov, so):
        pltpu.async_copy(ov, out_hbm.at[tid], so)

    def wait_out(tid, ov, so):
        pltpu.make_async_copy(ov, out_hbm.at[tid], so).wait()

    def zero_body(i, _):
        oa[pl.ds(i * L, L)] = zeros
        ob[pl.ds(i * L, L)] = zeros
        return 0

    lax.fori_loop(0, TW // L, zero_body, 0)

    start_x(wtile, xa, sxa)
    start_x(wtile + 1, xb, sxb)

    def half(i, t, xv, ov, sx, so, prev_hot):
        tid = wtile + t
        wait_x(tid, xv, sx)

        def amax_body(jj, carry):
            mvs, mos, off = carry
            mvs, mos = list(mvs), list(mos)
            for q in range(Q):
                for a in range(A):
                    o = off + (a * SEG + q)
                    col = plsc.load_gather(xv, [o])
                    pred = col > mvs[a]
                    mos[a] = jnp.where(pred, o, mos[a])
                    mvs[a] = jnp.maximum(mvs[a], col)
            return tuple(mvs), tuple(mos), off + Q

        init_mos = tuple(lane_base + a * SEG for a in range(A))
        mvs, mos, _ = lax.fori_loop(0, SEG // Q, amax_body,
                                    ((minf,) * A, init_mos, lane_base))
        mv, mo = mvs[0], mos[0]
        for a in range(1, A):
            pred = mvs[a] > mv
            mo = jnp.where(pred, mos[a], mo)
            mv = jnp.where(pred, mvs[a], mv)

        @pl.when(i > 0)
        def _wait_out():
            wait_out(tid, ov, so)

        plsc.store_scatter(ov, [prev_hot], zeros)
        plsc.store_scatter(ov, [mo], ones)
        start_out(tid, ov, so)

        @pl.when(i < NPAIR - 1)
        def _next_x():
            start_x(tid + 2, xv, sx)

        return mo

    def pair_body(i, carry):
        pa, pb = carry
        pa = half(i, 2 * i, xa, oa, sxa, soa, pa)
        pb = half(i, 2 * i + 1, xb, ob, sxb, sob, pb)
        return (pa, pb)

    lax.fori_loop(0, NPAIR, pair_body, (lane_base, lane_base))

    wait_out(0, oa, soa)
    wait_out(0, ob, sob)


def _tc_body(x_ref, o_ref):
    xb = x_ref[...]
    iota = lax.broadcasted_iota(jnp.int32, (BR, C), 1)
    m = jnp.max(xb, axis=1, keepdims=True)
    cand = jnp.where(xb == m, iota, C)
    idx = jnp.min(cand, axis=1, keepdims=True)
    o_ref[...] = (iota == idx).astype(jnp.float32)


_onehot_tc = pl.pallas_call(
    _tc_body,
    grid=(TC_ROWS // BR,),
    in_specs=[pl.BlockSpec((BR, C), lambda i: (i, 0))],
    out_specs=pl.BlockSpec((BR, C), lambda i: (i, 0)),
    out_shape=jax.ShapeDtypeStruct((R, C), jnp.float32),
)


def kernel(x):
    tc_out = _onehot_tc(x[:TC_ROWS])
    sc_out = _onehot_sc(x[TC_ROWS:].reshape(SC_TILES, TW))
    return lax.dynamic_update_slice(tc_out, sc_out.reshape(SC_ROWS, C),
                                    (TC_ROWS, 0))

# --- scband reference (transcript-rebuilt; emitter-appended) ---
"""Pipeline reference for scband-one-hot-encoder-40192303956254 (READ-ONLY COPY).

The authoritative reference and input builder live on the scoring server;
editing this copy changes nothing except your own understanding.
"""

import jax, jax.numpy as jnp
import numpy as np

N_DIMS = 1000

def setup_inputs(seed: int = 0) -> dict:
    key = jax.random.key(seed)
    x = jax.random.normal(key, (16384, 1000), dtype=jnp.float32)
    return {"x": x}

def reference(x):
    # indexes = x.argmax(dim=1)
    indexes = jnp.argmax(x, axis=1).astype(jnp.int32).reshape(-1, 1)
    n_rows = indexes.shape[0]
    # one_hots = x.new_zeros(n_rows, n_dims).scatter_(1, indexes, 1)
    one_hots = jnp.zeros((n_rows, N_DIMS), dtype=x.dtype)
    one_hots = one_hots.at[jnp.arange(n_rows), indexes[:, 0]].set(1.0)
    # one_hots.view(x.size(0), -1)
    one_hots = one_hots.reshape(x.shape[0], -1)
    return one_hots

if __name__ == "__main__":
    import jax
    _d = setup_inputs()
    print(jax.jit(kernel)(*tuple(_d.values())))

</pallas_src>

<mosaic_0001>
#map = affine_map<(d0, d1) -> (0, 0)>
module attributes {stable_mosaic.version = 14 : i64} {
  func.func @_onehot_sc(%arg0: i32, %arg1: i32, %arg2: memref<256x16000xf32, #tpu.memory_space<hbm>>, %arg3: memref<256x16000xf32, #tpu.memory_space<hbm>>, %arg4: memref<16000xf32, #tpu.memory_space<vmem>>, %arg5: memref<16000xf32, #tpu.memory_space<vmem>>, %arg6: memref<16000xf32, #tpu.memory_space<vmem>>, %arg7: memref<16000xf32, #tpu.memory_space<vmem>>, %arg8: memref<!tpu.dma_semaphore, #tpu.memory_space<semaphore_mem>>, %arg9: memref<!tpu.dma_semaphore, #tpu.memory_space<semaphore_mem>>, %arg10: memref<!tpu.dma_semaphore, #tpu.memory_space<semaphore_mem>>, %arg11: memref<!tpu.dma_semaphore, #tpu.memory_space<semaphore_mem>>) attributes {dimension_semantics = [#tpu.dimension_semantics<core_parallel>, #tpu.dimension_semantics<subcore_parallel>], iteration_bounds = array<i64: 2, 16>, scalar_prefetch = 0 : i64, scratch_operands = 8 : i64, tpu.core_type = #tpu.core_type<sc_vector_subcore>, window_params = [{transform_indices = #map}, {transform_indices = #map}]} {
    %mul3A = arith.constant 2 : i32
    %mul3A_0 = arith.muli %arg1, %mul3A : i32
    %add3A = arith.addi %mul3A_0, %arg0 : i32
    %iota3A = tpu.iota {dimensions = array<i32: 0>} : vector<16xi32>
    %mul3A_1 = arith.constant 1000 : i32
    %mul3A_2 = vector.broadcast %mul3A_1 : i32 to vector<16xi32>
    %mul3A_3 = arith.muli %iota3A, %mul3A_2 : vector<16xi32>
    %broadcast_in_dim3A = arith.constant 0.000000e+00 : f32
    %broadcast_in_dim3A_4 = vector.broadcast %broadcast_in_dim3A : f32 to vector<16xf32>
    %broadcast_in_dim3A_5 = arith.constant 1.000000e+00 : f32
    %broadcast_in_dim3A_6 = vector.broadcast %broadcast_in_dim3A_5 : f32 to vector<16xf32>
    %broadcast_in_dim3A_7 = arith.constant 0xFF800000 : f32
    %broadcast_in_dim3A_8 = vector.broadcast %broadcast_in_dim3A_7 : f32 to vector<16xf32>
    %mul3A_9 = arith.constant 8 : i32
    %mul3A_10 = arith.muli %add3A, %mul3A_9 : i32
    %scan3A = arith.constant 0 : i32
    %scan3A_11 = arith.constant 0 : i32
    %scan3A_12 = arith.constant 1000 : i32
    %scan3A_13 = arith.addi %scan3A_11, %scan3A_12 : i32
    %scan3A_14 = arith.constant 1 : i32
    %scan3A_15 = scf.for %scan3A_49 = %scan3A_11 to %scan3A_13 step %scan3A_14 iter_args(%scan3A_50 = %scan3A) -> (i32)  : i32 {
      %mul3A_51 = arith.constant 16 : i32
      %mul3A_52 = arith.muli %scan3A_49, %mul3A_51 : i32
      %swap3A = arith.index_cast %mul3A_52 : i32 to index
      %swap3A_53 = tpu.vector_load %arg6[%swap3A] {strides = array<i32>} : memref<16000xf32, #tpu.memory_space<vmem>>, vector<16xf32>,
      tpu.vector_store %arg6[%swap3A], %broadcast_in_dim3A_4 {strides = array<i32>} : memref<16000xf32, #tpu.memory_space<vmem>>, vector<16xf32>,
      %mul3A_54 = arith.constant 16 : i32
      %mul3A_55 = arith.muli %scan3A_49, %mul3A_54 : i32
      %swap3A_56 = arith.index_cast %mul3A_55 : i32 to index
      %swap3A_57 = tpu.vector_load %arg7[%swap3A_56] {strides = array<i32>} : memref<16000xf32, #tpu.memory_space<vmem>>, vector<16xf32>,
      tpu.vector_store %arg7[%swap3A_56], %broadcast_in_dim3A_4 {strides = array<i32>} : memref<16000xf32, #tpu.memory_space<vmem>>, vector<16xf32>,
      %scan3A_58 = arith.constant 0 : i32
      scf.yield %scan3A_58 : i32
    }
    %scan3A_16 = arith.constant 1000 : i32
    %dma_start3A = arith.constant 0 : i32
    %dma_start3A_17 = tpu.memref_slice %arg2[%mul3A_10, %dma_start3A] : memref<256x16000xf32, #tpu.memory_space<hbm>> -> memref<1x16000xf32, #tpu.memory_space<hbm>>
    %dma_start3A_18 = tpu.memref_squeeze %dma_start3A_17 : memref<1x16000xf32, #tpu.memory_space<hbm>> -> memref<16000xf32, #tpu.memory_space<hbm>>
    %dma_start3A_19 = arith.constant 0 : i32
    %dma_start3A_20 = tpu.memref_slice %arg2[%mul3A_10, %dma_start3A_19] : memref<256x16000xf32, #tpu.memory_space<hbm>> -> memref<1x16000xf32, #tpu.memory_space<hbm>>
    %dma_start3A_21 = tpu.memref_squeeze %dma_start3A_20 : memref<1x16000xf32, #tpu.memory_space<hbm>> -> memref<16000xf32, #tpu.memory_space<hbm>>
    tpu.enqueue_dma source(%dma_start3A_21 : memref<16000xf32, #tpu.memory_space<hbm>>) target(%arg4 : memref<16000xf32, #tpu.memory_space<vmem>>) target_semaphore(%arg8 : memref<!tpu.dma_semaphore, #tpu.memory_space<semaphore_mem>>)
    %add3A_22 = arith.constant 1 : i32
    %add3A_23 = arith.addi %mul3A_10, %add3A_22 : i32
    %dma_start3A_24 = arith.constant 0 : i32
    %dma_start3A_25 = tpu.memref_slice %arg2[%add3A_23, %dma_start3A_24] : memref<256x16000xf32, #tpu.memory_space<hbm>> -> memref<1x16000xf32, #tpu.memory_space<hbm>>
    %dma_start3A_26 = tpu.memref_squeeze %dma_start3A_25 : memref<1x16000xf32, #tpu.memory_space<hbm>> -> memref<16000xf32, #tpu.memory_space<hbm>>
    %dma_start3A_27 = arith.constant 0 : i32
    %dma_start3A_28 = tpu.memref_slice %arg2[%add3A_23, %dma_start3A_27] : memref<256x16000xf32, #tpu.memory_space<hbm>> -> memref<1x16000xf32, #tpu.memory_space<hbm>>
    %dma_start3A_29 = tpu.memref_squeeze %dma_start3A_28 : memref<1x16000xf32, #tpu.memory_space<hbm>> -> memref<16000xf32, #tpu.memory_space<hbm>>
    tpu.enqueue_dma source(%dma_start3A_29 : memref<16000xf32, #tpu.memory_space<hbm>>) target(%arg5 : memref<16000xf32, #tpu.memory_space<vmem>>) target_semaphore(%arg9 : memref<!tpu.dma_semaphore, #tpu.memory_space<semaphore_mem>>)
    %scan3A_30 = arith.constant 0 : i32
    %scan3A_31 = arith.constant 4 : i32
    %scan3A_32 = arith.addi %scan3A_30, %scan3A_31 : i32
    %scan3A_33 = arith.constant 1 : i32
    %scan3A_34:2 = scf.for %scan3A_49 = %scan3A_30 to %scan3A_32 step %scan3A_33 iter_args(%scan3A_50 = %mul3A_3, %scan3A_51 = %mul3A_3) -> (vector<16xi32>, vector<16xi32>)  : i32 {
      %mul3A_52 = arith.constant 2 : i32
      %mul3A_53 = arith.muli %mul3A_52, %scan3A_49 : i32
      %add3A_54 = arith.addi %mul3A_10, %mul3A_53 : i32
      %dma_wait3A_55 = arith.constant 0 : i32
      %dma_wait3A_56 = tpu.memref_slice %arg2[%add3A_54, %dma_wait3A_55] : memref<256x16000xf32, #tpu.memory_space<hbm>> -> memref<1x16000xf32, #tpu.memory_space<hbm>>
      %dma_wait3A_57 = tpu.memref_squeeze %dma_wait3A_56 : memref<1x16000xf32, #tpu.memory_space<hbm>> -> memref<16000xf32, #tpu.memory_space<hbm>>
      %dma_wait3A_58 = arith.constant 0 : i32
      %dma_wait3A_59 = tpu.memref_slice %arg2[%add3A_54, %dma_wait3A_58] : memref<256x16000xf32, #tpu.memory_space<hbm>> -> memref<1x16000xf32, #tpu.memory_space<hbm>>
      %dma_wait3A_60 = tpu.memref_squeeze %dma_wait3A_59 : memref<1x16000xf32, #tpu.memory_space<hbm>> -> memref<16000xf32, #tpu.memory_space<hbm>>
      tpu.wait_dma2 semaphore(%arg8 : memref<!tpu.dma_semaphore, #tpu.memory_space<semaphore_mem>>) src(%dma_wait3A_60 : memref<16000xf32, #tpu.memory_space<hbm>>) dst(%arg4 : memref<16000xf32, #tpu.memory_space<vmem>>)
      %add3A_61 = arith.constant 0 : i32
      %add3A_62 = vector.broadcast %add3A_61 : i32 to vector<16xi32>
      %add3A_63 = arith.addi %mul3A_3, %add3A_62 : vector<16xi32>
      %add3A_64 = arith.constant 250 : i32
      %add3A_65 = vector.broadcast %add3A_64 : i32 to vector<16xi32>
      %add3A_66 = arith.addi %mul3A_3, %add3A_65 : vector<16xi32>
      %add3A_67 = arith.constant 500 : i32
      %add3A_68 = vector.broadcast %add3A_67 : i32 to vector<16xi32>
      %add3A_69 = arith.addi %mul3A_3, %add3A_68 : vector<16xi32>
      %add3A_70 = arith.constant 750 : i32
      %add3A_71 = vector.broadcast %add3A_70 : i32 to vector<16xi32>
      %add3A_72 = arith.addi %mul3A_3, %add3A_71 : vector<16xi32>
      %scan3A_73 = arith.constant 0 : i32
      %scan3A_74 = arith.constant 50 : i32
      %scan3A_75 = arith.addi %scan3A_73, %scan3A_74 : i32
      %scan3A_76 = arith.constant 1 : i32
      %scan3A_77:9 = scf.for %scan3A_153 = %scan3A_73 to %scan3A_75 step %scan3A_76 iter_args(%scan3A_154 = %broadcast_in_dim3A_8, %scan3A_155 = %broadcast_in_dim3A_8, %scan3A_156 = %broadcast_in_dim3A_8, %scan3A_157 = %broadcast_in_dim3A_8, %scan3A_158 = %add3A_63, %scan3A_159 = %add3A_66, %scan3A_160 = %add3A_69, %scan3A_161 = %add3A_72, %scan3A_162 = %mul3A_3) -> (vector<16xf32>, vector<16xf32>, vector<16xf32>, vector<16xf32>, vector<16xi32>, vector<16xi32>, vector<16xi32>, vector<16xi32>, vector<16xi32>)  : i32 {
        %add3A_163 = arith.constant 0 : i32
        %add3A_164 = vector.broadcast %add3A_163 : i32 to vector<16xi32>
        %add3A_165 = arith.addi %scan3A_162, %add3A_164 : vector<16xi32>
        %gather3A = tpu.vector_load_idx %arg4[%add3A_165] : memref<16000xf32, #tpu.memory_space<vmem>>[vector<16xi32>], vector<16xf32>,
        %gt3A_166 = arith.cmpf ogt, %gather3A, %scan3A_154 : vector<16xf32>
        %select_n3A_167 = arith.select %gt3A_166, %add3A_165, %scan3A_158 : vector<16xi1>, vector<16xi32>
        %max3A = arith.maximumf %scan3A_154, %gather3A : vector<16xf32>
        %add3A_168 = arith.constant 250 : i32
        %add3A_169 = vector.broadcast %add3A_168 : i32 to vector<16xi32>
        %add3A_170 = arith.addi %scan3A_162, %add3A_169 : vector<16xi32>
        %gather3A_171 = tpu.vector_load_idx %arg4[%add3A_170] : memref<16000xf32, #tpu.memory_space<vmem>>[vector<16xi32>], vector<16xf32>,
        %gt3A_172 = arith.cmpf ogt, %gather3A_171, %scan3A_155 : vector<16xf32>
        %select_n3A_173 = arith.select %gt3A_172, %add3A_170, %scan3A_159 : vector<16xi1>, vector<16xi32>
        %max3A_174 = arith.maximumf %scan3A_155, %gather3A_171 : vector<16xf32>
        %add3A_175 = arith.constant 500 : i32
        %add3A_176 = vector.broadcast %add3A_175 : i32 to vector<16xi32>
        %add3A_177 = arith.addi %scan3A_162, %add3A_176 : vector<16xi32>
        %gather3A_178 = tpu.vector_load_idx %arg4[%add3A_177] : memref<16000xf32, #tpu.memory_space<vmem>>[vector<16xi32>], vector<16xf32>,
        %gt3A_179 = arith.cmpf ogt, %gather3A_178, %scan3A_156 : vector<16xf32>
        %select_n3A_180 = arith.select %gt3A_179, %add3A_177, %scan3A_160 : vector<16xi1>, vector<16xi32>
        %max3A_181 = arith.maximumf %scan3A_156, %gather3A_178 : vector<16xf32>
        %add3A_182 = arith.constant 750 : i32
        %add3A_183 = vector.broadcast %add3A_182 : i32 to vector<16xi32>
        %add3A_184 = arith.addi %scan3A_162, %add3A_183 : vector<16xi32>
        %gather3A_185 = tpu.vector_load_idx %arg4[%add3A_184] : memref<16000xf32, #tpu.memory_space<vmem>>[vector<16xi32>], vector<16xf32>,
        %gt3A_186 = arith.cmpf ogt, %gather3A_185, %scan3A_157 : vector<16xf32>
        %select_n3A_187 = arith.select %gt3A_186, %add3A_184, %scan3A_161 : vector<16xi1>, vector<16xi32>
        %max3A_188 = arith.maximumf %scan3A_157, %gather3A_185 : vector<16xf32>
        %add3A_189 = arith.constant 1 : i32
        %add3A_190 = vector.broadcast %add3A_189 : i32 to vector<16xi32>
        %add3A_191 = arith.addi %scan3A_162, %add3A_190 : vector<16xi32>
        %gather3A_192 = tpu.vector_load_idx %arg4[%add3A_191] : memref<16000xf32, #tpu.memory_space<vmem>>[vector<16xi32>], vector<16xf32>,
        %gt3A_193 = arith.cmpf ogt, %gather3A_192, %max3A : vector<16xf32>
        %select_n3A_194 = arith.select %gt3A_193, %add3A_191, %select_n3A_167 : vector<16xi1>, vector<16xi32>
        %max3A_195 = arith.maximumf %max3A, %gather3A_192 : vector<16xf32>
        %add3A_196 = arith.constant 251 : i32
        %add3A_197 = vector.broadcast %add3A_196 : i32 to vector<16xi32>
        %add3A_198 = arith.addi %scan3A_162, %add3A_197 : vector<16xi32>
        %gather3A_199 = tpu.vector_load_idx %arg4[%add3A_198] : memref<16000xf32, #tpu.memory_space<vmem>>[vector<16xi32>], vector<16xf32>,
        %gt3A_200 = arith.cmpf ogt, %gather3A_199, %max3A_174 : vector<16xf32>
        %select_n3A_201 = arith.select %gt3A_200, %add3A_198, %select_n3A_173 : vector<16xi1>, vector<16xi32>
        %max3A_202 = arith.maximumf %max3A_174, %gather3A_199 : vector<16xf32>
        %add3A_203 = arith.constant 501 : i32
        %add3A_204 = vector.broadcast %add3A_203 : i32 to vector<16xi32>
        %add3A_205 = arith.addi %scan3A_162, %add3A_204 : vector<16xi32>
        %gather3A_206 = tpu.vector_load_idx %arg4[%add3A_205] : memref<16000xf32, #tpu.memory_space<vmem>>[vector<16xi32>], vector<16xf32>,
        %gt3A_207 = arith.cmpf ogt, %gather3A_206, %max3A_181 : vector<16xf32>
        %select_n3A_208 = arith.select %gt3A_207, %add3A_205, %select_n3A_180 : vector<16xi1>, vector<16xi32>
        %max3A_209 = arith.maximumf %max3A_181, %gather3A_206 : vector<16xf32>
        %add3A_210 = arith.constant 751 : i32
        %add3A_211 = vector.broadcast %add3A_210 : i32 to vector<16xi32>
        %add3A_212 = arith.addi %scan3A_162, %add3A_211 : vector<16xi32>
        %gather3A_213 = tpu.vector_load_idx %arg4[%add3A_212] : memref<16000xf32, #tpu.memory_space<vmem>>[vector<16xi32>], vector<16xf32>,
        %gt3A_214 = arith.cmpf ogt, %gather3A_213, %max3A_188 : vector<16xf32>
        %select_n3A_215 = arith.select %gt3A_214, %add3A_212, %select_n3A_187 : vector<16xi1>, vector<16xi32>
        %max3A_216 = arith.maximumf %max3A_188, %gather3A_213 : vector<16xf32>
        %add3A_217 = arith.constant 2 : i32
        %add3A_218 = vector.broadcast %add3A_217 : i32 to vector<16xi32>
        %add3A_219 = arith.addi %scan3A_162, %add3A_218 : vector<16xi32>
        %gather3A_220 = tpu.vector_load_idx %arg4[%add3A_219] : memref<16000xf32, #tpu.memory_space<vmem>>[vector<16xi32>], vector<16xf32>,
        %gt3A_221 = arith.cmpf ogt, %gather3A_220, %max3A_195 : vector<16xf32>
        %select_n3A_222 = arith.select %gt3A_221, %add3A_219, %select_n3A_194 : vector<16xi1>, vector<16xi32>
        %max3A_223 = arith.maximumf %max3A_195, %gather3A_220 : vector<16xf32>
        %add3A_224 = arith.constant 252 : i32
        %add3A_225 = vector.broadcast %add3A_224 : i32 to vector<16xi32>
        %add3A_226 = arith.addi %scan3A_162, %add3A_225 : vector<16xi32>
        %gather3A_227 = tpu.vector_load_idx %arg4[%add3A_226] : memref<16000xf32, #tpu.memory_space<vmem>>[vector<16xi32>], vector<16xf32>,
        %gt3A_228 = arith.cmpf ogt, %gather3A_227, %max3A_202 : vector<16xf32>
        %select_n3A_229 = arith.select %gt3A_228, %add3A_226, %select_n3A_201 : vector<16xi1>, vector<16xi32>
        %max3A_230 = arith.maximumf %max3A_202, %gather3A_227 : vector<16xf32>
        %add3A_231 = arith.constant 502 : i32
        %add3A_232 = vector.broadcast %add3A_231 : i32 to vector<16xi32>
        %add3A_233 = arith.addi %scan3A_162, %add3A_232 : vector<16xi32>
        %gather3A_234 = tpu.vector_load_idx %arg4[%add3A_233] : memref<16000xf32, #tpu.memory_space<vmem>>[vector<16xi32>], vector<16xf32>,
        %gt3A_235 = arith.cmpf ogt, %gather3A_234, %max3A_209 : vector<16xf32>
        %select_n3A_236 = arith.select %gt3A_235, %add3A_233, %select_n3A_208 : vector<16xi1>, vector<16xi32>
        %max3A_237 = arith.maximumf %max3A_209, %gather3A_234 : vector<16xf32>
        %add3A_238 = arith.constant 752 : i32
        %add3A_239 = vector.broadcast %add3A_238 : i32 to vector<16xi32>
        %add3A_240 = arith.addi %scan3A_162, %add3A_239 : vector<16xi32>
        %gather3A_241 = tpu.vector_load_idx %arg4[%add3A_240] : memref<16000xf32, #tpu.memory_space<vmem>>[vector<16xi32>], vector<16xf32>,
        %gt3A_242 = arith.cmpf ogt, %gather3A_241, %max3A_216 : vector<16xf32>
        %select_n3A_243 = arith.select %gt3A_242, %add3A_240, %select_n3A_215 : vector<16xi1>, vector<16xi32>
        %max3A_244 = arith.maximumf %max3A_216, %gather3A_241 : vector<16xf32>
        %add3A_245 = arith.constant 3 : i32
        %add3A_246 = vector.broadcast %add3A_245 : i32 to vector<16xi32>
        %add3A_247 = arith.addi %scan3A_162, %add3A_246 : vector<16xi32>
        %gather3A_248 = tpu.vector_load_idx %arg4[%add3A_247] : memref<16000xf32, #tpu.memory_space<vmem>>[vector<16xi32>], vector<16xf32>,
        %gt3A_249 = arith.cmpf ogt, %gather3A_248, %max3A_223 : vector<16xf32>
        %select_n3A_250 = arith.select %gt3A_249, %add3A_247, %select_n3A_222 : vector<16xi1>, vector<16xi32>
        %max3A_251 = arith.maximumf %max3A_223, %gather3A_248 : vector<16xf32>
        %add3A_252 = arith.constant 253 : i32
        %add3A_253 = vector.broadcast %add3A_252 : i32 to vector<16xi32>
        %add3A_254 = arith.addi %scan3A_162, %add3A_253 : vector<16xi32>
        %gather3A_255 = tpu.vector_load_idx %arg4[%add3A_254] : memref<16000xf32, #tpu.memory_space<vmem>>[vector<16xi32>], vector<16xf32>,
        %gt3A_256 = arith.cmpf ogt, %gather3A_255, %max3A_230 : vector<16xf32>
        %select_n3A_257 = arith.select %gt3A_256, %add3A_254, %select_n3A_229 : vector<16xi1>, vector<16xi32>
        %max3A_258 = arith.maximumf %max3A_230, %gather3A_255 : vector<16xf32>
        %add3A_259 = arith.constant 503 : i32
        %add3A_260 = vector.broadcast %add3A_259 : i32 to vector<16xi32>
        %add3A_261 = arith.addi %scan3A_162, %add3A_260 : vector<16xi32>
        %gather3A_262 = tpu.vector_load_idx %arg4[%add3A_261] : memref<16000xf32, #tpu.memory_space<vmem>>[vector<16xi32>], vector<16xf32>,
        %gt3A_263 = arith.cmpf ogt, %gather3A_262, %max3A_237 : vector<16xf32>
        %select_n3A_264 = arith.select %gt3A_263, %add3A_261, %select_n3A_236 : vector<16xi1>, vector<16xi32>
        %max3A_265 = arith.maximumf %max3A_237, %gather3A_262 : vector<16xf32>
        %add3A_266 = arith.constant 753 : i32
        %add3A_267 = vector.broadcast %add3A_266 : i32 to vector<16xi32>
        %add3A_268 = arith.addi %scan3A_162, %add3A_267 : vector<16xi32>
        %gather3A_269 = tpu.vector_load_idx %arg4[%add3A_268] : memref<16000xf32, #tpu.memory_space<vmem>>[vector<16xi32>], vector<16xf32>,
        %gt3A_270 = arith.cmpf ogt, %gather3A_269, %max3A_244 : vector<16xf32>
        %select_n3A_271 = arith.select %gt3A_270, %add3A_268, %select_n3A_243 : vector<16xi1>, vector<16xi32>
        %max3A_272 = arith.maximumf %max3A_244, %gather3A_269 : vector<16xf32>
        %add3A_273 = arith.constant 4 : i32
        %add3A_274 = vector.broadcast %add3A_273 : i32 to vector<16xi32>
        %add3A_275 = arith.addi %scan3A_162, %add3A_274 : vector<16xi32>
        %gather3A_276 = tpu.vector_load_idx %arg4[%add3A_275] : memref<16000xf32, #tpu.memory_space<vmem>>[vector<16xi32>], vector<16xf32>,
        %gt3A_277 = arith.cmpf ogt, %gather3A_276, %max3A_251 : vector<16xf32>
        %select_n3A_278 = arith.select %gt3A_277, %add3A_275, %select_n3A_250 : vector<16xi1>, vector<16xi32>
        %max3A_279 = arith.maximumf %max3A_251, %gather3A_276 : vector<16xf32>
        %add3A_280 = arith.constant 254 : i32
        %add3A_281 = vector.broadcast %add3A_280 : i32 to vector<16xi32>
        %add3A_282 = arith.addi %scan3A_162, %add3A_281 : vector<16xi32>
        %gather3A_283 = tpu.vector_load_idx %arg4[%add3A_282] : memref<16000xf32, #tpu.memory_space<vmem>>[vector<16xi32>], vector<16xf32>,
        %gt3A_284 = arith.cmpf ogt, %gather3A_283, %max3A_258 : vector<16xf32>
        %select_n3A_285 = arith.select %gt3A_284, %add3A_282, %select_n3A_257 : vector<16xi1>, vector<16xi32>
        %max3A_286 = arith.maximumf %max3A_258, %gather3A_283 : vector<16xf32>
        %add3A_287 = arith.constant 504 : i32
        %add3A_288 = vector.broadcast %add3A_287 : i32 to vector<16xi32>
        %add3A_289 = arith.addi %scan3A_162, %add3A_288 : vector<16xi32>
        %gather3A_290 = tpu.vector_load_idx %arg4[%add3A_289] : memref<16000xf32, #tpu.memory_space<vmem>>[vector<16xi32>], vector<16xf32>,
        %gt3A_291 = arith.cmpf ogt, %gather3A_290, %max3A_265 : vector<16xf32>
        %select_n3A_292 = arith.select %gt3A_291, %add3A_289, %select_n3A_264 : vector<16xi1>, vector<16xi32>
        %max3A_293 = arith.maximumf %max3A_265, %gather3A_290 : vector<16xf32>
        %add3A_294 = arith.constant 754 : i32
        %add3A_295 = vector.broadcast %add3A_294 : i32 to vector<16xi32>
        %add3A_296 = arith.addi %scan3A_162, %add3A_295 : vector<16xi32>
        %gather3A_297 = tpu.vector_load_idx %arg4[%add3A_296] : memref<16000xf32, #tpu.memory_space<vmem>>[vector<16xi32>], vector<16xf32>,
        %gt3A_298 = arith.cmpf ogt, %gather3A_297, %max3A_272 : vector<16xf32>
        %select_n3A_299 = arith.select %gt3A_298, %add3A_296, %select_n3A_271 : vector<16xi1>, vector<16xi32>
        %max3A_300 = arith.maximumf %max3A_272, %gather3A_297 : vector<16xf32>
        %add3A_301 = arith.constant 5 : i32
        %add3A_302 = vector.broadcast %add3A_301 : i32 to vector<16xi32>
        %add3A_303 = arith.addi %scan3A_162, %add3A_302 : vector<16xi32>
        scf.yield %max3A_279, %max3A_286, %max3A_293, %max3A_300, %select_n3A_278, %select_n3A_285, %select_n3A_292, %select_n3A_299, %add3A_303 : vector<16xf32>, vector<16xf32>, vector<16xf32>, vector<16xf32>, vector<16xi32>, vector<16xi32>, vector<16xi32>, vector<16xi32>, vector<16xi32>
      }
      %scan3A_78 = arith.constant 50 : i32
      %gt3A = arith.cmpf ogt, %scan3A_77#1, %scan3A_77#0 : vector<16xf32>
      %select_n3A = arith.select %gt3A, %scan3A_77#5, %scan3A_77#4 : vector<16xi1>, vector<16xi32>
      %select_n3A_79 = arith.select %gt3A, %scan3A_77#1, %scan3A_77#0 : vector<16xi1>, vector<16xf32>
      %gt3A_80 = arith.cmpf ogt, %scan3A_77#2, %select_n3A_79 : vector<16xf32>
      %select_n3A_81 = arith.select %gt3A_80, %scan3A_77#6, %select_n3A : vector<16xi1>, vector<16xi32>
      %select_n3A_82 = arith.select %gt3A_80, %scan3A_77#2, %select_n3A_79 : vector<16xi1>, vector<16xf32>
      %gt3A_83 = arith.cmpf ogt, %scan3A_77#3, %select_n3A_82 : vector<16xf32>
      %select_n3A_84 = arith.select %gt3A_83, %scan3A_77#7, %select_n3A_81 : vector<16xi1>, vector<16xi32>
      %select_n3A_85 = arith.select %gt3A_83, %scan3A_77#3, %select_n3A_82 : vector<16xi1>, vector<16xf32>
      %gt3A_86 = arith.constant 0 : i32
      %gt3A_87 = arith.cmpi sgt, %scan3A_49, %gt3A_86 : i32
      %convert_element_type3A = arith.extui %gt3A_87 : i1 to i32
      %cond3A = arith.constant 0 : i32
      %cond3A_88 = arith.cmpi ne, %convert_element_type3A, %cond3A : i32
      scf.if %cond3A_88 {
        %dma_wait3A_153 = arith.constant 0 : i32
        %dma_wait3A_154 = tpu.memref_slice %arg3[%add3A_54, %dma_wait3A_153] : memref<256x16000xf32, #tpu.memory_space<hbm>> -> memref<1x16000xf32, #tpu.memory_space<hbm>>
        %dma_wait3A_155 = tpu.memref_squeeze %dma_wait3A_154 : memref<1x16000xf32, #tpu.memory_space<hbm>> -> memref<16000xf32, #tpu.memory_space<hbm>>
        %dma_wait3A_156 = arith.constant 0 : i32
        %dma_wait3A_157 = tpu.memref_slice %arg3[%add3A_54, %dma_wait3A_156] : memref<256x16000xf32, #tpu.memory_space<hbm>> -> memref<1x16000xf32, #tpu.memory_space<hbm>>
        %dma_wait3A_158 = tpu.memref_squeeze %dma_wait3A_157 : memref<1x16000xf32, #tpu.memory_space<hbm>> -> memref<16000xf32, #tpu.memory_space<hbm>>
        tpu.wait_dma2 semaphore(%arg10 : memref<!tpu.dma_semaphore, #tpu.memory_space<semaphore_mem>>) src(%arg6 : memref<16000xf32, #tpu.memory_space<vmem>>) dst(%dma_wait3A_158 : memref<16000xf32, #tpu.memory_space<hbm>>)
      } else {
      }
      tpu.vector_store_idx %arg6[%scan3A_50], %broadcast_in_dim3A_4 : memref<16000xf32, #tpu.memory_space<vmem>>[vector<16xi32>], vector<16xf32>,
      tpu.vector_store_idx %arg6[%select_n3A_84], %broadcast_in_dim3A_6 : memref<16000xf32, #tpu.memory_space<vmem>>[vector<16xi32>], vector<16xf32>,
      %dma_start3A_89 = arith.constant 0 : i32
      %dma_start3A_90 = tpu.memref_slice %arg3[%add3A_54, %dma_start3A_89] : memref<256x16000xf32, #tpu.memory_space<hbm>> -> memref<1x16000xf32, #tpu.memory_space<hbm>>
      %dma_start3A_91 = tpu.memref_squeeze %dma_start3A_90 : memref<1x16000xf32, #tpu.memory_space<hbm>> -> memref<16000xf32, #tpu.memory_space<hbm>>
      %dma_start3A_92 = arith.constant 0 : i32
      %dma_start3A_93 = tpu.memref_slice %arg3[%add3A_54, %dma_start3A_92] : memref<256x16000xf32, #tpu.memory_space<hbm>> -> memref<1x16000xf32, #tpu.memory_space<hbm>>
      %dma_start3A_94 = tpu.memref_squeeze %dma_start3A_93 : memref<1x16000xf32, #tpu.memory_space<hbm>> -> memref<16000xf32, #tpu.memory_space<hbm>>
      tpu.enqueue_dma source(%arg6 : memref<16000xf32, #tpu.memory_space<vmem>>) target(%dma_start3A_94 : memref<16000xf32, #tpu.memory_space<hbm>>) target_semaphore(%arg10 : memref<!tpu.dma_semaphore, #tpu.memory_space<semaphore_mem>>)
      %lt3A = arith.constant 3 : i32
      %lt3A_95 = arith.cmpi slt, %scan3A_49, %lt3A : i32
      %convert_element_type3A_96 = arith.extui %lt3A_95 : i1 to i32
      %cond3A_97 = arith.constant 0 : i32
      %cond3A_98 = arith.cmpi ne, %convert_element_type3A_96, %cond3A_97 : i32
      scf.if %cond3A_98 {
        %add3A_153 = arith.constant 2 : i32
        %add3A_154 = arith.addi %add3A_54, %add3A_153 : i32
        %dma_start3A_155 = arith.constant 0 : i32
        %dma_start3A_156 = tpu.memref_slice %arg2[%add3A_154, %dma_start3A_155] : memref<256x16000xf32, #tpu.memory_space<hbm>> -> memref<1x16000xf32, #tpu.memory_space<hbm>>
        %dma_start3A_157 = tpu.memref_squeeze %dma_start3A_156 : memref<1x16000xf32, #tpu.memory_space<hbm>> -> memref<16000xf32, #tpu.memory_space<hbm>>
        %dma_start3A_158 = arith.constant 0 : i32
        %dma_start3A_159 = tpu.memref_slice %arg2[%add3A_154, %dma_start3A_158] : memref<256x16000xf32, #tpu.memory_space<hbm>> -> memref<1x16000xf32, #tpu.memory_space<hbm>>
        %dma_start3A_160 = tpu.memref_squeeze %dma_start3A_159 : memref<1x16000xf32, #tpu.memory_space<hbm>> -> memref<16000xf32, #tpu.memory_space<hbm>>
        tpu.enqueue_dma source(%dma_start3A_160 : memref<16000xf32, #tpu.memory_space<hbm>>) target(%arg4 : memref<16000xf32, #tpu.memory_space<vmem>>) target_semaphore(%arg8 : memref<!tpu.dma_semaphore, #tpu.memory_space<semaphore_mem>>)
      } else {
      }
      %mul3A_99 = arith.constant 2 : i32
      %mul3A_100 = arith.muli %mul3A_99, %scan3A_49 : i32
      %add3A_101 = arith.constant 1 : i32
      %add3A_102 = arith.addi %mul3A_100, %add3A_101 : i32
      %add3A_103 = arith.addi %mul3A_10, %add3A_102 : i32
      %dma_wait3A_104 = arith.constant 0 : i32
      %dma_wait3A_105 = tpu.memref_slice %arg2[%add3A_103, %dma_wait3A_104] : memref<256x16000xf32, #tpu.memory_space<hbm>> -> memref<1x16000xf32, #tpu.memory_space<hbm>>
      %dma_wait3A_106 = tpu.memref_squeeze %dma_wait3A_105 : memref<1x16000xf32, #tpu.memory_space<hbm>> -> memref<16000xf32, #tpu.memory_space<hbm>>
      %dma_wait3A_107 = arith.constant 0 : i32
      %dma_wait3A_108 = tpu.memref_slice %arg2[%add3A_103, %dma_wait3A_107] : memref<256x16000xf32, #tpu.memory_space<hbm>> -> memref<1x16000xf32, #tpu.memory_space<hbm>>
      %dma_wait3A_109 = tpu.memref_squeeze %dma_wait3A_108 : memref<1x16000xf32, #tpu.memory_space<hbm>> -> memref<16000xf32, #tpu.memory_space<hbm>>
      tpu.wait_dma2 semaphore(%arg9 : memref<!tpu.dma_semaphore, #tpu.memory_space<semaphore_mem>>) src(%dma_wait3A_109 : memref<16000xf32, #tpu.memory_space<hbm>>) dst(%arg5 : memref<16000xf32, #tpu.memory_space<vmem>>)
      %add3A_110 = arith.constant 0 : i32
      %add3A_111 = vector.broadcast %add3A_110 : i32 to vector<16xi32>
      %add3A_112 = arith.addi %mul3A_3, %add3A_111 : vector<16xi32>
      %add3A_113 = arith.constant 250 : i32
      %add3A_114 = vector.broadcast %add3A_113 : i32 to vector<16xi32>
      %add3A_115 = arith.addi %mul3A_3, %add3A_114 : vector<16xi32>
      %add3A_116 = arith.constant 500 : i32
      %add3A_117 = vector.broadcast %add3A_116 : i32 to vector<16xi32>
      %add3A_118 = arith.addi %mul3A_3, %add3A_117 : vector<16xi32>
      %add3A_119 = arith.constant 750 : i32
      %add3A_120 = vector.broadcast %add3A_119 : i32 to vector<16xi32>
      %add3A_121 = arith.addi %mul3A_3, %add3A_120 : vector<16xi32>
      %scan3A_122 = arith.constant 0 : i32
      %scan3A_123 = arith.constant 50 : i32
      %scan3A_124 = arith.addi %scan3A_122, %scan3A_123 : i32
      %scan3A_125 = arith.constant 1 : i32
      %scan3A_126:9 = scf.for %scan3A_153 = %scan3A_122 to %scan3A_124 step %scan3A_125 iter_args(%scan3A_154 = %broadcast_in_dim3A_8, %scan3A_155 = %broadcast_in_dim3A_8, %scan3A_156 = %broadcast_in_dim3A_8, %scan3A_157 = %broadcast_in_dim3A_8, %scan3A_158 = %add3A_112, %scan3A_159 = %add3A_115, %scan3A_160 = %add3A_118, %scan3A_161 = %add3A_121, %scan3A_162 = %mul3A_3) -> (vector<16xf32>, vector<16xf32>, vector<16xf32>, vector<16xf32>, vector<16xi32>, vector<16xi32>, vector<16xi32>, vector<16xi32>, vector<16xi32>)  : i32 {
        %add3A_163 = arith.constant 0 : i32
        %add3A_164 = vector.broadcast %add3A_163 : i32 to vector<16xi32>
        %add3A_165 = arith.addi %scan3A_162, %add3A_164 : vector<16xi32>
        %gather3A = tpu.vector_load_idx %arg5[%add3A_165] : memref<16000xf32, #tpu.memory_space<vmem>>[vector<16xi32>], vector<16xf32>,
        %gt3A_166 = arith.cmpf ogt, %gather3A, %scan3A_154 : vector<16xf32>
        %select_n3A_167 = arith.select %gt3A_166, %add3A_165, %scan3A_158 : vector<16xi1>, vector<16xi32>
        %max3A = arith.maximumf %scan3A_154, %gather3A : vector<16xf32>
        %add3A_168 = arith.constant 250 : i32
        %add3A_169 = vector.broadcast %add3A_168 : i32 to vector<16xi32>
        %add3A_170 = arith.addi %scan3A_162, %add3A_169 : vector<16xi32>
        %gather3A_171 = tpu.vector_load_idx %arg5[%add3A_170] : memref<16000xf32, #tpu.memory_space<vmem>>[vector<16xi32>], vector<16xf32>,
        %gt3A_172 = arith.cmpf ogt, %gather3A_171, %scan3A_155 : vector<16xf32>
        %select_n3A_173 = arith.select %gt3A_172, %add3A_170, %scan3A_159 : vector<16xi1>, vector<16xi32>
        %max3A_174 = arith.maximumf %scan3A_155, %gather3A_171 : vector<16xf32>
        %add3A_175 = arith.constant 500 : i32
        %add3A_176 = vector.broadcast %add3A_175 : i32 to vector<16xi32>
        %add3A_177 = arith.addi %scan3A_162, %add3A_176 : vector<16xi32>
        %gather3A_178 = tpu.vector_load_idx %arg5[%add3A_177] : memref<16000xf32, #tpu.memory_space<vmem>>[vector<16xi32>], vector<16xf32>,
        %gt3A_179 = arith.cmpf ogt, %gather3A_178, %scan3A_156 : vector<16xf32>
        %select_n3A_180 = arith.select %gt3A_179, %add3A_177, %scan3A_160 : vector<16xi1>, vector<16xi32>
        %max3A_181 = arith.maximumf %scan3A_156, %gather3A_178 : vector<16xf32>
        %add3A_182 = arith.constant 750 : i32
        %add3A_183 = vector.broadcast %add3A_182 : i32 to vector<16xi32>
        %add3A_184 = arith.addi %scan3A_162, %add3A_183 : vector<16xi32>
        %gather3A_185 = tpu.vector_load_idx %arg5[%add3A_184] : memref<16000xf32, #tpu.memory_space<vmem>>[vector<16xi32>], vector<16xf32>,
        %gt3A_186 = arith.cmpf ogt, %gather3A_185, %scan3A_157 : vector<16xf32>
        %select_n3A_187 = arith.select %gt3A_186, %add3A_184, %scan3A_161 : vector<16xi1>, vector<16xi32>
        %max3A_188 = arith.maximumf %scan3A_157, %gather3A_185 : vector<16xf32>
        %add3A_189 = arith.constant 1 : i32
        %add3A_190 = vector.broadcast %add3A_189 : i32 to vector<16xi32>
        %add3A_191 = arith.addi %scan3A_162, %add3A_190 : vector<16xi32>
        %gather3A_192 = tpu.vector_load_idx %arg5[%add3A_191] : memref<16000xf32, #tpu.memory_space<vmem>>[vector<16xi32>], vector<16xf32>,
        %gt3A_193 = arith.cmpf ogt, %gather3A_192, %max3A : vector<16xf32>
        %select_n3A_194 = arith.select %gt3A_193, %add3A_191, %select_n3A_167 : vector<16xi1>, vector<16xi32>
        %max3A_195 = arith.maximumf %max3A, %gather3A_192 : vector<16xf32>
        %add3A_196 = arith.constant 251 : i32
        %add3A_197 = vector.broadcast %add3A_196 : i32 to vector<16xi32>
        %add3A_198 = arith.addi %scan3A_162, %add3A_197 : vector<16xi32>
        %gather3A_199 = tpu.vector_load_idx %arg5[%add3A_198] : memref<16000xf32, #tpu.memory_space<vmem>>[vector<16xi32>], vector<16xf32>,
        %gt3A_200 = arith.cmpf ogt, %gather3A_199, %max3A_174 : vector<16xf32>
        %select_n3A_201 = arith.select %gt3A_200, %add3A_198, %select_n3A_173 : vector<16xi1>, vector<16xi32>
        %max3A_202 = arith.maximumf %max3A_174, %gather3A_199 : vector<16xf32>
        %add3A_203 = arith.constant 501 : i32
        %add3A_204 = vector.broadcast %add3A_203 : i32 to vector<16xi32>
        %add3A_205 = arith.addi %scan3A_162, %add3A_204 : vector<16xi32>
        %gather3A_206 = tpu.vector_load_idx %arg5[%add3A_205] : memref<16000xf32, #tpu.memory_space<vmem>>[vector<16xi32>], vector<16xf32>,
        %gt3A_207 = arith.cmpf ogt, %gather3A_206, %max3A_181 : vector<16xf32>
        %select_n3A_208 = arith.select %gt3A_207, %add3A_205, %select_n3A_180 : vector<16xi1>, vector<16xi32>
        %max3A_209 = arith.maximumf %max3A_181, %gather3A_206 : vector<16xf32>
        %add3A_210 = arith.constant 751 : i32
        %add3A_211 = vector.broadcast %add3A_210 : i32 to vector<16xi32>
        %add3A_212 = arith.addi %scan3A_162, %add3A_211 : vector<16xi32>
        %gather3A_213 = tpu.vector_load_idx %arg5[%add3A_212] : memref<16000xf32, #tpu.memory_space<vmem>>[vector<16xi32>], vector<16xf32>,
        %gt3A_214 = arith.cmpf ogt, %gather3A_213, %max3A_188 : vector<16xf32>
        %select_n3A_215 = arith.select %gt3A_214, %add3A_212, %select_n3A_187 : vector<16xi1>, vector<16xi32>
        %max3A_216 = arith.maximumf %max3A_188, %gather3A_213 : vector<16xf32>
        %add3A_217 = arith.constant 2 : i32
        %add3A_218 = vector.broadcast %add3A_217 : i32 to vector<16xi32>
        %add3A_219 = arith.addi %scan3A_162, %add3A_218 : vector<16xi32>
        %gather3A_220 = tpu.vector_load_idx %arg5[%add3A_219] : memref<16000xf32, #tpu.memory_space<vmem>>[vector<16xi32>], vector<16xf32>,
        %gt3A_221 = arith.cmpf ogt, %gather3A_220, %max3A_195 : vector<16xf32>
        %select_n3A_222 = arith.select %gt3A_221, %add3A_219, %select_n3A_194 : vector<16xi1>, vector<16xi32>
        %max3A_223 = arith.maximumf %max3A_195, %gather3A_220 : vector<16xf32>
        %add3A_224 = arith.constant 252 : i32
        %add3A_225 = vector.broadcast %add3A_224 : i32 to vector<16xi32>
        %add3A_226 = arith.addi %scan3A_162, %add3A_225 : vector<16xi32>
        %gather3A_227 = tpu.vector_load_idx %arg5[%add3A_226] : memref<16000xf32, #tpu.memory_space<vmem>>[vector<16xi32>], vector<16xf32>,
        %gt3A_228 = arith.cmpf ogt, %gather3A_227, %max3A_202 : vector<16xf32>
        %select_n3A_229 = arith.select %gt3A_228, %add3A_226, %select_n3A_201 : vector<16xi1>, vector<16xi32>
        %max3A_230 = arith.maximumf %max3A_202, %gather3A_227 : vector<16xf32>
        %add3A_231 = arith.constant 502 : i32
        %add3A_232 = vector.broadcast %add3A_231 : i32 to vector<16xi32>
        %add3A_233 = arith.addi %scan3A_162, %add3A_232 : vector<16xi32>
        %gather3A_234 = tpu.vector_load_idx %arg5[%add3A_233] : memref<16000xf32, #tpu.memory_space<vmem>>[vector<16xi32>], vector<16xf32>,
        %gt3A_235 = arith.cmpf ogt, %gather3A_234, %max3A_209 : vector<16xf32>
        %select_n3A_236 = arith.select %gt3A_235, %add3A_233, %select_n3A_208 : vector<16xi1>, vector<16xi32>
        %max3A_237 = arith.maximumf %max3A_209, %gather3A_234 : vector<16xf32>
        %add3A_238 = arith.constant 752 : i32
        %add3A_239 = vector.broadcast %add3A_238 : i32 to vector<16xi32>
        %add3A_240 = arith.addi %scan3A_162, %add3A_239 : vector<16xi32>
        %gather3A_241 = tpu.vector_load_idx %arg5[%add3A_240] : memref<16000xf32, #tpu.memory_space<vmem>>[vector<16xi32>], vector<16xf32>,
        %gt3A_242 = arith.cmpf ogt, %gather3A_241, %max3A_216 : vector<16xf32>
        %select_n3A_243 = arith.select %gt3A_242, %add3A_240, %select_n3A_215 : vector<16xi1>, vector<16xi32>
        %max3A_244 = arith.maximumf %max3A_216, %gather3A_241 : vector<16xf32>
        %add3A_245 = arith.constant 3 : i32
        %add3A_246 = vector.broadcast %add3A_245 : i32 to vector<16xi32>
        %add3A_247 = arith.addi %scan3A_162, %add3A_246 : vector<16xi32>
        %gather3A_248 = tpu.vector_load_idx %arg5[%add3A_247] : memref<16000xf32, #tpu.memory_space<vmem>>[vector<16xi32>], vector<16xf32>,
        %gt3A_249 = arith.cmpf ogt, %gather3A_248, %max3A_223 : vector<16xf32>
        %select_n3A_250 = arith.select %gt3A_249, %add3A_247, %select_n3A_222 : vector<16xi1>, vector<16xi32>
        %max3A_251 = arith.maximumf %max3A_223, %gather3A_248 : vector<16xf32>
        %add3A_252 = arith.constant 253 : i32
        %add3A_253 = vector.broadcast %add3A_252 : i32 to vector<16xi32>
        %add3A_254 = arith.addi %scan3A_162, %add3A_253 : vector<16xi32>
        %gather3A_255 = tpu.vector_load_idx %arg5[%add3A_254] : memref<16000xf32, #tpu.memory_space<vmem>>[vector<16xi32>], vector<16xf32>,
        %gt3A_256 = arith.cmpf ogt, %gather3A_255, %max3A_230 : vector<16xf32>
        %select_n3A_257 = arith.select %gt3A_256, %add3A_254, %select_n3A_229 : vector<16xi1>, vector<16xi32>
        %max3A_258 = arith.maximumf %max3A_230, %gather3A_255 : vector<16xf32>
        %add3A_259 = arith.constant 503 : i32
        %add3A_260 = vector.broadcast %add3A_259 : i32 to vector<16xi32>
        %add3A_261 = arith.addi %scan3A_162, %add3A_260 : vector<16xi32>
        %gather3A_262 = tpu.vector_load_idx %arg5[%add3A_261] : memref<16000xf32, #tpu.memory_space<vmem>>[vector<16xi32>], vector<16xf32>,
        %gt3A_263 = arith.cmpf ogt, %gather3A_262, %max3A_237 : vector<16xf32>
        %select_n3A_264 = arith.select %gt3A_263, %add3A_261, %select_n3A_236 : vector<16xi1>, vector<16xi32>
        %max3A_265 = arith.maximumf %max3A_237, %gather3A_262 : vector<16xf32>
        %add3A_266 = arith.constant 753 : i32
        %add3A_267 = vector.broadcast %add3A_266 : i32 to vector<16xi32>
        %add3A_268 = arith.addi %scan3A_162, %add3A_267 : vector<16xi32>
        %gather3A_269 = tpu.vector_load_idx %arg5[%add3A_268] : memref<16000xf32, #tpu.memory_space<vmem>>[vector<16xi32>], vector<16xf32>,
        %gt3A_270 = arith.cmpf ogt, %gather3A_269, %max3A_244 : vector<16xf32>
        %select_n3A_271 = arith.select %gt3A_270, %add3A_268, %select_n3A_243 : vector<16xi1>, vector<16xi32>
        %max3A_272 = arith.maximumf %max3A_244, %gather3A_269 : vector<16xf32>
        %add3A_273 = arith.constant 4 : i32
        %add3A_274 = vector.broadcast %add3A_273 : i32 to vector<16xi32>
        %add3A_275 = arith.addi %scan3A_162, %add3A_274 : vector<16xi32>
        %gather3A_276 = tpu.vector_load_idx %arg5[%add3A_275] : memref<16000xf32, #tpu.memory_space<vmem>>[vector<16xi32>], vector<16xf32>,
        %gt3A_277 = arith.cmpf ogt, %gather3A_276, %max3A_251 : vector<16xf32>
        %select_n3A_278 = arith.select %gt3A_277, %add3A_275, %select_n3A_250 : vector<16xi1>, vector<16xi32>
        %max3A_279 = arith.maximumf %max3A_251, %gather3A_276 : vector<16xf32>
        %add3A_280 = arith.constant 254 : i32
        %add3A_281 = vector.broadcast %add3A_280 : i32 to vector<16xi32>
        %add3A_282 = arith.addi %scan3A_162, %add3A_281 : vector<16xi32>
        %gather3A_283 = tpu.vector_load_idx %arg5[%add3A_282] : memref<16000xf32, #tpu.memory_space<vmem>>[vector<16xi32>], vector<16xf32>,
        %gt3A_284 = arith.cmpf ogt, %gather3A_283, %max3A_258 : vector<16xf32>
        %select_n3A_285 = arith.select %gt3A_284, %add3A_282, %select_n3A_257 : vector<16xi1>, vector<16xi32>
        %max3A_286 = arith.maximumf %max3A_258, %gather3A_283 : vector<16xf32>
        %add3A_287 = arith.constant 504 : i32
        %add3A_288 = vector.broadcast %add3A_287 : i32 to vector<16xi32>
        %add3A_289 = arith.addi %scan3A_162, %add3A_288 : vector<16xi32>
        %gather3A_290 = tpu.vector_load_idx %arg5[%add3A_289] : memref<16000xf32, #tpu.memory_space<vmem>>[vector<16xi32>], vector<16xf32>,
        %gt3A_291 = arith.cmpf ogt, %gather3A_290, %max3A_265 : vector<16xf32>
        %select_n3A_292 = arith.select %gt3A_291, %add3A_289, %select_n3A_264 : vector<16xi1>, vector<16xi32>
        %max3A_293 = arith.maximumf %max3A_265, %gather3A_290 : vector<16xf32>
        %add3A_294 = arith.constant 754 : i32
        %add3A_295 = vector.broadcast %add3A_294 : i32 to vector<16xi32>
        %add3A_296 = arith.addi %scan3A_162, %add3A_295 : vector<16xi32>
        %gather3A_297 = tpu.vector_load_idx %arg5[%add3A_296] : memref<16000xf32, #tpu.memory_space<vmem>>[vector<16xi32>], vector<16xf32>,
        %gt3A_298 = arith.cmpf ogt, %gather3A_297, %max3A_272 : vector<16xf32>
        %select_n3A_299 = arith.select %gt3A_298, %add3A_296, %select_n3A_271 : vector<16xi1>, vector<16xi32>
        %max3A_300 = arith.maximumf %max3A_272, %gather3A_297 : vector<16xf32>
        %add3A_301 = arith.constant 5 : i32
        %add3A_302 = vector.broadcast %add3A_301 : i32 to vector<16xi32>
        %add3A_303 = arith.addi %scan3A_162, %add3A_302 : vector<16xi32>
        scf.yield %max3A_279, %max3A_286, %max3A_293, %max3A_300, %select_n3A_278, %select_n3A_285, %select_n3A_292, %select_n3A_299, %add3A_303 : vector<16xf32>, vector<16xf32>, vector<16xf32>, vector<16xf32>, vector<16xi32>, vector<16xi32>, vector<16xi32>, vector<16xi32>, vector<16xi32>
      }
      %scan3A_127 = arith.constant 50 : i32
      %gt3A_128 = arith.cmpf ogt, %scan3A_126#1, %scan3A_126#0 : vector<16xf32>
      %select_n3A_129 = arith.select %gt3A_128, %scan3A_126#5, %scan3A_126#4 : vector<16xi1>, vector<16xi32>
      %select_n3A_130 = arith.select %gt3A_128, %scan3A_126#1, %scan3A_126#0 : vector<16xi1>, vector<16xf32>
      %gt3A_131 = arith.cmpf ogt, %scan3A_126#2, %select_n3A_130 : vector<16xf32>
      %select_n3A_132 = arith.select %gt3A_131, %scan3A_126#6, %select_n3A_129 : vector<16xi1>, vector<16xi32>
      %select_n3A_133 = arith.select %gt3A_131, %scan3A_126#2, %select_n3A_130 : vector<16xi1>, vector<16xf32>
      %gt3A_134 = arith.cmpf ogt, %scan3A_126#3, %select_n3A_133 : vector<16xf32>
      %select_n3A_135 = arith.select %gt3A_134, %scan3A_126#7, %select_n3A_132 : vector<16xi1>, vector<16xi32>
      %select_n3A_136 = arith.select %gt3A_134, %scan3A_126#3, %select_n3A_133 : vector<16xi1>, vector<16xf32>
      %gt3A_137 = arith.constant 0 : i32
      %gt3A_138 = arith.cmpi sgt, %scan3A_49, %gt3A_137 : i32
      %convert_element_type3A_139 = arith.extui %gt3A_138 : i1 to i32
      %cond3A_140 = arith.constant 0 : i32
      %cond3A_141 = arith.cmpi ne, %convert_element_type3A_139, %cond3A_140 : i32
      scf.if %cond3A_141 {
        %dma_wait3A_153 = arith.constant 0 : i32
        %dma_wait3A_154 = tpu.memref_slice %arg3[%add3A_103, %dma_wait3A_153] : memref<256x16000xf32, #tpu.memory_space<hbm>> -> memref<1x16000xf32, #tpu.memory_space<hbm>>
        %dma_wait3A_155 = tpu.memref_squeeze %dma_wait3A_154 : memref<1x16000xf32, #tpu.memory_space<hbm>> -> memref<16000xf32, #tpu.memory_space<hbm>>
        %dma_wait3A_156 = arith.constant 0 : i32
        %dma_wait3A_157 = tpu.memref_slice %arg3[%add3A_103, %dma_wait3A_156] : memref<256x16000xf32, #tpu.memory_space<hbm>> -> memref<1x16000xf32, #tpu.memory_space<hbm>>
        %dma_wait3A_158 = tpu.memref_squeeze %dma_wait3A_157 : memref<1x16000xf32, #tpu.memory_space<hbm>> -> memref<16000xf32, #tpu.memory_space<hbm>>
        tpu.wait_dma2 semaphore(%arg11 : memref<!tpu.dma_semaphore, #tpu.memory_space<semaphore_mem>>) src(%arg7 : memref<16000xf32, #tpu.memory_space<vmem>>) dst(%dma_wait3A_158 : memref<16000xf32, #tpu.memory_space<hbm>>)
      } else {
      }
      tpu.vector_store_idx %arg7[%scan3A_51], %broadcast_in_dim3A_4 : memref<16000xf32, #tpu.memory_space<vmem>>[vector<16xi32>], vector<16xf32>,
      tpu.vector_store_idx %arg7[%select_n3A_135], %broadcast_in_dim3A_6 : memref<16000xf32, #tpu.memory_space<vmem>>[vector<16xi32>], vector<16xf32>,
      %dma_start3A_142 = arith.constant 0 : i32
      %dma_start3A_143 = tpu.memref_slice %arg3[%add3A_103, %dma_start3A_142] : memref<256x16000xf32, #tpu.memory_space<hbm>> -> memref<1x16000xf32, #tpu.memory_space<hbm>>
      %dma_start3A_144 = tpu.memref_squeeze %dma_start3A_143 : memref<1x16000xf32, #tpu.memory_space<hbm>> -> memref<16000xf32, #tpu.memory_space<hbm>>
      %dma_start3A_145 = arith.constant 0 : i32
      %dma_start3A_146 = tpu.memref_slice %arg3[%add3A_103, %dma_start3A_145] : memref<256x16000xf32, #tpu.memory_space<hbm>> -> memref<1x16000xf32, #tpu.memory_space<hbm>>
      %dma_start3A_147 = tpu.memref_squeeze %dma_start3A_146 : memref<1x16000xf32, #tpu.memory_space<hbm>> -> memref<16000xf32, #tpu.memory_space<hbm>>
      tpu.enqueue_dma source(%arg7 : memref<16000xf32, #tpu.memory_space<vmem>>) target(%dma_start3A_147 : memref<16000xf32, #tpu.memory_space<hbm>>) target_semaphore(%arg11 : memref<!tpu.dma_semaphore, #tpu.memory_space<semaphore_mem>>)
      %lt3A_148 = arith.constant 3 : i32
      %lt3A_149 = arith.cmpi slt, %scan3A_49, %lt3A_148 : i32
      %convert_element_type3A_150 = arith.extui %lt3A_149 : i1 to i32
      %cond3A_151 = arith.constant 0 : i32
      %cond3A_152 = arith.cmpi ne, %convert_element_type3A_150, %cond3A_151 : i32
      scf.if %cond3A_152 {
        %add3A_153 = arith.constant 2 : i32
        %add3A_154 = arith.addi %add3A_103, %add3A_153 : i32
        %dma_start3A_155 = arith.constant 0 : i32
        %dma_start3A_156 = tpu.memref_slice %arg2[%add3A_154, %dma_start3A_155] : memref<256x16000xf32, #tpu.memory_space<hbm>> -> memref<1x16000xf32, #tpu.memory_space<hbm>>
        %dma_start3A_157 = tpu.memref_squeeze %dma_start3A_156 : memref<1x16000xf32, #tpu.memory_space<hbm>> -> memref<16000xf32, #tpu.memory_space<hbm>>
        %dma_start3A_158 = arith.constant 0 : i32
        %dma_start3A_159 = tpu.memref_slice %arg2[%add3A_154, %dma_start3A_158] : memref<256x16000xf32, #tpu.memory_space<hbm>> -> memref<1x16000xf32, #tpu.memory_space<hbm>>
        %dma_start3A_160 = tpu.memref_squeeze %dma_start3A_159 : memref<1x16000xf32, #tpu.memory_space<hbm>> -> memref<16000xf32, #tpu.memory_space<hbm>>
        tpu.enqueue_dma source(%dma_start3A_160 : memref<16000xf32, #tpu.memory_space<hbm>>) target(%arg5 : memref<16000xf32, #tpu.memory_space<vmem>>) target_semaphore(%arg9 : memref<!tpu.dma_semaphore, #tpu.memory_space<semaphore_mem>>)
      } else {
      }
      scf.yield %select_n3A_84, %select_n3A_135 : vector<16xi32>, vector<16xi32>
    }
    %scan3A_35 = arith.constant 4 : i32
    %dma_wait3A = arith.constant 0 : i32
    %dma_wait3A_36 = arith.constant 0 : i32
    %dma_wait3A_37 = tpu.memref_slice %arg3[%dma_wait3A, %dma_wait3A_36] : memref<256x16000xf32, #tpu.memory_space<hbm>> -> memref<1x16000xf32, #tpu.memory_space<hbm>>
    %dma_wait3A_38 = tpu.memref_squeeze %dma_wait3A_37 : memref<1x16000xf32, #tpu.memory_space<hbm>> -> memref<16000xf32, #tpu.memory_space<hbm>>
    %dma_wait3A_39 = arith.constant 0 : i32
    %dma_wait3A_40 = tpu.memref_slice %arg3[%dma_wait3A, %dma_wait3A_39] : memref<256x16000xf32, #tpu.memory_space<hbm>> -> memref<1x16000xf32, #tpu.memory_space<hbm>>
    %dma_wait3A_41 = tpu.memref_squeeze %dma_wait3A_40 : memref<1x16000xf32, #tpu.memory_space<hbm>> -> memref<16000xf32, #tpu.memory_space<hbm>>
    tpu.wait_dma2 semaphore(%arg10 : memref<!tpu.dma_semaphore, #tpu.memory_space<semaphore_mem>>) src(%arg6 : memref<16000xf32, #tpu.memory_space<vmem>>) dst(%dma_wait3A_41 : memref<16000xf32, #tpu.memory_space<hbm>>)
    %dma_wait3A_42 = arith.constant 0 : i32
    %dma_wait3A_43 = arith.constant 0 : i32
    %dma_wait3A_44 = tpu.memref_slice %arg3[%dma_wait3A_42, %dma_wait3A_43] : memref<256x16000xf32, #tpu.memory_space<hbm>> -> memref<1x16000xf32, #tpu.memory_space<hbm>>
    %dma_wait3A_45 = tpu.memref_squeeze %dma_wait3A_44 : memref<1x16000xf32, #tpu.memory_space<hbm>> -> memref<16000xf32, #tpu.memory_space<hbm>>
    %dma_wait3A_46 = arith.constant 0 : i32
    %dma_wait3A_47 = tpu.memref_slice %arg3[%dma_wait3A_42, %dma_wait3A_46] : memref<256x16000xf32, #tpu.memory_space<hbm>> -> memref<1x16000xf32, #tpu.memory_space<hbm>>
    %dma_wait3A_48 = tpu.memref_squeeze %dma_wait3A_47 : memref<1x16000xf32, #tpu.memory_space<hbm>> -> memref<16000xf32, #tpu.memory_space<hbm>>
    tpu.wait_dma2 semaphore(%arg11 : memref<!tpu.dma_semaphore, #tpu.memory_space<semaphore_mem>>) src(%arg7 : memref<16000xf32, #tpu.memory_space<vmem>>) dst(%dma_wait3A_48 : memref<16000xf32, #tpu.memory_space<hbm>>)
    return
  }
}

module attributes {stable_mosaic.version = 14 : i64} {
  func.func @_tc_body(%arg0: i32, %arg1: memref<512x1000xf32, #tpu.memory_space<vmem>>, %arg2: memref<512x1000xf32, #tpu.memory_space<vmem>>) attributes {dimension_semantics = [#tpu.dimension_semantics<arbitrary>], iteration_bounds = array<i64: 24>, scalar_prefetch = 0 : i64, scratch_operands = 0 : i64, tpu.core_type = #tpu.core_type<tc>, window_params = [{transform_indices = @transform_0, window_bounds = array<i64: 512, 1000>}, {transform_indices = @transform_1, window_bounds = array<i64: 512, 1000>}]} {
    %get3A = arith.constant 0 : index
    %get3A_0 = arith.constant 0 : index
    %get3A_1 = vector.load %arg1[%get3A, %get3A_0] : memref<512x1000xf32, #tpu.memory_space<vmem>>, vector<512x1000xf32>
    %iota3A = tpu.iota {dimensions = array<i32: 1>} : vector<512x1000xi32>
    %reduce_max3A = arith.constant dense<0xFF800000> : vector<512xf32>
    %reduce_max3A_2 = vector.multi_reduction <maximumf>, %get3A_1, %reduce_max3A [1] : vector<512x1000xf32> to vector<512xf32>
    %broadcast_in_dim3A = vector.shape_cast %reduce_max3A_2 : vector<512xf32> to vector<512x1xf32>
    %eq3A = vector.broadcast %broadcast_in_dim3A : vector<512x1xf32> to vector<512x1000xf32>
    %eq3A_3 = arith.cmpf oeq, %get3A_1, %eq3A : vector<512x1000xf32>
    %jit3A = arith.constant 1000 : i32
    %broadcast_in_dim3A_4 = vector.broadcast %jit3A : i32 to vector<512x1000xi32>
    %select_n3A = arith.select %eq3A_3, %iota3A, %broadcast_in_dim3A_4 : vector<512x1000xi1>, vector<512x1000xi32>
    %reduce_min3A = arith.constant dense<2147483647> : vector<512xi32>
    %reduce_min3A_5 = vector.multi_reduction <minsi>, %select_n3A, %reduce_min3A [1] : vector<512x1000xi32> to vector<512xi32>
    %broadcast_in_dim3A_6 = vector.shape_cast %reduce_min3A_5 : vector<512xi32> to vector<512x1xi32>
    %eq3A_7 = vector.broadcast %broadcast_in_dim3A_6 : vector<512x1xi32> to vector<512x1000xi32>
    %eq3A_8 = arith.cmpi eq, %iota3A, %eq3A_7 : vector<512x1000xi32>
    %convert_element_type3A = arith.extui %eq3A_8 : vector<512x1000xi1> to vector<512x1000xi32>
    %convert_element_type3A_9 = arith.sitofp %convert_element_type3A : vector<512x1000xi32> to vector<512x1000xf32>
    %swap3A = arith.constant 0 : index
    %swap3A_10 = arith.constant 0 : index
    %swap3A_11 = vector.load %arg2[%swap3A, %swap3A_10] : memref<512x1000xf32, #tpu.memory_space<vmem>>, vector<512x1000xf32>
    tpu.vector_store %arg2[%swap3A, %swap3A_10], %convert_element_type3A_9 {strides = array<i32>} : memref<512x1000xf32, #tpu.memory_space<vmem>>, vector<512x1000xf32>,
    return
  }
  func.func @transform_0(%arg0: i32) -> (i32, i32) {
    %c0_i32 = arith.constant 0 : i32
    %c0_i32_0 = arith.constant 0 : i32
    return %arg0, %c0_i32 : i32, i32
  }
  func.func @transform_1(%arg0: i32) -> (i32, i32) {
    %c0_i32 = arith.constant 0 : i32
    %c0_i32_0 = arith.constant 0 : i32
    return %arg0, %c0_i32 : i32, i32
  }
}

</mosaic_0001>

<sc_bundles>
// kernel: kernel.4.cloned.1.call-start
scs
__scs_entry_jumppad:
0x0: {  	(pc) =	sbr.rel $0x88, $3  }
0x1: {  	(tag) =	ssettag $0x0;
	lr =	simm.s32 $0x1  }
0x2: {  	[smem:$0x3FA0] =	sst lr;
	_ =	strace $0xD0000000  }
0x3: {  	_ = 	snop  }
0x4: {  	_ = 	snop  }
0x5: {  	_ = 	snop  }
0x6: {  	_ = 	snop  }
0x7: {  	_ = 	snop  }
__scs_overlays_trampoline_lowered:
0x8: {  	[smem:$0x3FAF] =	sst s0  }
0x9: {  	[smem:$0x3FB0] =	sst s1  }
0xa: {  	[smem:$0x3FB1] =	sst s2  }
0xb: {  	[smem:$0x3FB2] =	sst s3  }
0xc: {  	[smem:$0x3FB3] =	sst s4  }
0xd: {  	[smem:$0x3FB4] =	sst s5  }
0xe: {  	[smem:$0x3FB5] =	sst s6  }
0xf: {  	[smem:$0x3FB6] =	sst s7  }
0x10: {  	[smem:$0x3FB7] =	sst s8  }
0x11: {  	[smem:$0x3FB8] =	sst s9;
	s0 =	simm.s32 @!p0 $0x0  }
0x12: {  	s1 =	sld [smem:$0x3F9E];
	s0 =	simm.s32 @p0 $0x1  }
0x13: {  	[smem:$0x3FB9] =	sst s0;
	s0 =	simm.s32 @!p1 $0x0  }
0x14: {  	s2 =	sld [smem:$0x3F9D];
	s0 =	simm.s32 @p1 $0x1  }
0x15: {  	[smem:$0x3FBA] =	sst s0;
	s0 =	simm.s32 @!p2 $0x0  }
0x16: {  	s3 =	sld [smem:$0x3FDB];
	s0 =	simm.s32 @p2 $0x1  }
0x17: {  	s4 =	simm.s32 $0x1BF5;
	[smem:$0x3FBC] =	sst s0  }
0x18: {  	s0 =	sld [smem:$0x3F9F];
	_ =	swait.ge [sflag:s4], $0x0  }
0x19: {  	s7 =	sld [smem:$0x3FA0]  }
0x1a: {  	s8 =	sadd.s32 $0xFFFFE003, lr  }
0x1b: {  	s9 =	sadd.s32 $0xFFFFFEF7, lr;
	s5 =	simm.s32 $0xFFFFFFFF;
	p2 =	slt.u32 s8, $0xFFFFF086  }
0x1c: {  	p1 =	slt.u32 s9, $0xF7A;
	s5 =	simm.s32 @!p2 $0x0  }
0x1d: {  	s5 =	simm.s32 @p1 $0x1;
	p0 =	seq.s32 s7, s2  }
0x1e: {  	s7 =	smul.u32 @!p0 $0xF7A, s2;
	p2 =	seq.s32 @!p0 s5, $0x0  }
0x1f: {  	s9 =	smul.u32 $0xF7A, s1;
	s8 =	simm.s32 @!p0 $0x1BF5;
	p2 =	por !p2, p0  }
0x20: {  	[sflag:s8] =	ssyncset.s32 @!p0 $0xFFFFF086;
	s6 =	sadd.s32 @!p0 s3, s7;
	s7 =	simm.s32 @!p0 $0x108  }
0x21: {  	s3 =	sadd.s32 s3, s9;
	s6 =	sadd.s32 @!p0 $0x88, s6;
	s7 =	simm.s32 @p2 $0x1082  }
0x22: {  	[simem:s7], [sflag:s8] =	dma.local @!p0 [hbm:s6], $0xF7A  }
0x23: {  	s9 =	sor.u32 $0xD0000000, s2;
	s6 =	simm.s32 $0x108;
	_ =	swait.ge @!p0 [sflag:s8], $0x0  }
0x24: {  	s3 =	sadd.s32 $0x88, s3;
	s6 =	simm.s32 @!p1 $0x1082;
	[sflag:s4] =	ssyncset.s32 $0xFFFFF086  }
0x25: {  	[simem:s6], [sflag:s4] =	dma.local [hbm:s3], $0xF7A  }
0x26: {  	[smem:$0x3FA0] =	sst s1;
	(tag) =	ssettag s2;
	_ =	strace s9  }
0x27: {  	s1 =	sld [smem:$0x3FB0]  }
0x28: {  	s2 =	sld [smem:$0x3FB1]  }
0x29: {  	s4 =	sld [smem:$0x3FB3]  }
0x2a: {  	p0 =	seq.s32 s5, $0x0;
	s5 =	sld [smem:$0x3FB4]  }
0x2b: {  	s6 =	sld [smem:$0x3FB5]  }
0x2c: {  	s7 =	sld [smem:$0x3FB6]  }
0x2d: {  	s3 =	simm.s32 $0x108;
	s8 =	sld [smem:$0x3FB7]  }
0x2e: {  	s3 =	simm.s32 @!p0 $0x1082;
	s9 =	sld [smem:$0x3FB8]  }
0x2f: {  	lr =	sadd.s32 s0, s3;
	s0 =	sld [smem:$0x3FAF]  }
0x30: {  	s3 =	sld [smem:$0x3FB2]  }
0x31: {  	[smem:$0x3FBB] =	sst s10  }
0x32: {  	s10 =	sld [smem:$0x3FB9];
	_ =	sdelay $0x3  }
0x33: {  	p0 =	seq.s32 s10, $0x1;
	s10 =	sld [smem:$0x3FBB];
	_ =	sdelay $0x3  }
0x34: {  	[smem:$0x3FBB] =	sst s10  }
0x35: {  	s10 =	sld [smem:$0x3FBA];
	_ =	sdelay $0x3  }
0x36: {  	p1 =	seq.s32 s10, $0x1;
	s10 =	sld [smem:$0x3FBB];
	_ =	sdelay $0x3  }
0x37: {  	[smem:$0x3FBB] =	sst s10  }
0x38: {  	s10 =	sld [smem:$0x3FBC]  }
0x39: {  	_ = 	snop;
	(pc) =	sbr.ind lr, $3  }
0x3a: {  	_ = 	snop  }
0x3b: {  	_ = 	snop  }
0x3c: {  	p2 =	seq.s32 s10, $0x1;
	s10 =	sld [smem:$0x3FBB]  }
0x3d: {  	_ =	shalt  }
0x3e: {  	_ =	shalt  }
0x3f: {  	_ =	shalt  }
0x40: {  	_ =	shalt  }
0x41: {  	_ =	shalt  }
0x42: {  	_ =	shalt  }
0x43: {  	_ =	shalt  }
0x44: {  	_ =	shalt  }
0x45: {  	_ =	shalt  }
0x46: {  	_ =	shalt  }
0x47: {  	_ =	shalt  }
0x48: {  	_ =	shalt  }
0x49: {  	_ =	shalt  }
0x4a: {  	_ =	shalt  }
0x4b: {  	_ =	shalt  }
0x4c: {  	_ =	shalt  }
0x4d: {  	_ =	shalt  }
0x4e: {  	_ =	shalt  }
0x4f: {  	_ =	shalt  }
0x50: {  	_ =	shalt  }
0x51: {  	_ =	shalt  }
0x52: {  	_ =	shalt  }
0x53: {  	_ =	shalt  }
0x54: {  	_ =	shalt  }
0x55: {  	_ =	shalt  }
0x56: {  	_ =	shalt  }
0x57: {  	_ =	shalt  }
0x58: {  	_ =	shalt  }
0x59: {  	_ =	shalt  }
0x5a: {  	_ =	shalt  }
0x5b: {  	_ =	shalt  }
0x5c: {  	_ =	shalt  }
0x5d: {  	_ =	shalt  }
0x5e: {  	_ =	shalt  }
0x5f: {  	_ =	shalt  }
0x60: {  	_ =	shalt  }
0x61: {  	_ =	shalt  }
0x62: {  	_ =	shalt  }
0x63: {  	_ =	shalt  }
0x64: {  	_ =	shalt  }
0x65: {  	_ =	shalt  }
0x66: {  	_ =	shalt  }
0x67: {  	_ =	shalt  }
0x68: {  	_ =	shalt  }
0x69: {  	_ =	shalt  }
0x6a: {  	_ =	shalt  }
0x6b: {  	_ =	shalt  }
0x6c: {  	_ =	shalt  }
0x6d: {  	_ =	shalt  }
0x6e: {  	_ =	shalt  }
0x6f: {  	_ =	shalt  }
0x70: {  	_ =	shalt  }
0x71: {  	_ =	shalt  }
0x72: {  	_ =	shalt  }
0x73: {  	_ =	shalt  }
0x74: {  	_ =	shalt  }
0x75: {  	_ =	shalt  }
0x76: {  	_ =	shalt  }
0x77: {  	_ =	shalt  }
0x78: {  	_ =	shalt  }
0x79: {  	_ =	shalt  }
0x7a: {  	_ =	shalt  }
0x7b: {  	_ =	shalt  }
0x7c: {  	_ =	shalt  }
0x7d: {  	_ =	shalt  }
0x7e: {  	_ =	shalt  }
0x7f: {  	_ =	shalt  }
0x80: {  	_ =	shalt  }
0x81: {  	_ =	shalt  }
0x82: {  	_ =	shalt  }
0x83: {  	_ =	shalt  }
0x84: {  	_ =	shalt  }
0x85: {  	_ =	shalt  }
0x86: {  	_ =	shalt  }
0x87: {  	_ =	shalt  }
.Lfunc_end0:
.L_simem_size_0:
called_computation.1_lowered:
.L_overlay_start_0:
0x88: {  	s2 =	sld [smem:$0x3FD9]  }
0x89: {  	s3 =	sld [smem:$0x3FFE];
	_ =	sdelay $0x1  }
0x8a: {  	s1 =	srdreg.scid  }
0x8b: {  	s0 =	sand.u32 $0x1, s1  }
0x8c: {  	s16 =	sshll.u32 s0, $0xA;
	s2 =	sadd.s32 s3, s2  }
0x8d: {  	s2 =	sadd.s32 s2, s16  }
0x8e: {  	[smem:$0x3FC7] =	sst s2  }
0x8f: {  	_ = 	snop  }
0x90: {  	(tm) =	ssettm $0x1  }
0x91: {  	s17 =	sld [smem:$0x3FFB];
	_ =	sdelay $0x3  }
0x92: {  	_ =	strace s17  }
0x93: {  	s2 =	sld [smem:$0x3FFC];
	_ =	sdelay $0x3  }
0x94: {  	_ =	strace s2  }
0x95: {  	s2 =	sld [smem:$0x3FFD];
	_ =	sdelay $0x3  }
0x96: {  	_ =	strace s2  }
0x97: {  	_ =	strace $0x8FFFFFFF  }
0x98: {  	s18 =	sld [smem:$0x3FDB];
	_ =	sdelay $0x1  }
0x99: {  	s19 =	simm.s32 $_scs_section_size  }
0x9a: {  	s4 =	simm.s32 $_size__tile_overlayer_lowered;
	s5 =	simm.s32 $_tile_overlayer_lowered  }
0x9b: {  	s22 =	simm.s32 $0x1BFF;
	s21 =	sshll.u32 s5, $0x1;
	s2 =	sadd.s32 s19, s18  }
0x9c: {  	s6 =	simm.s32 $0x0;
	s20 =	sshll.u32 s4, $0x1;
	s4 =	sadd.s32 s21, s2  }
0x9d: {  	[timem:s6], [sflag:s22] =	dma.local [hbm:s4], s20  }
0x9e: {  	_ =	swait.ge [sflag:s22], s20  }
0x9f: {  	s3 =	ssub.s32 $0x0, s20;
	[sflag:s22] =	ssyncset.done $0x0  }
0xa0: {  	[sflag:s22] =	ssyncadd.s32 s3;
	_ =	sdelay $0x1  }
0xa1: {  	s23 =	simm.s32 $0x1B8B  }
0xa2: {  	_ =	swait.ge [sflag:s23], $0x1  }
0xa3: {  	[sflag:s23] =	ssyncset.done $0x0  }
0xa4: {  	s25 =	simm.s32 $0x1B8E;
	s24 =	sld [smem:$0x3FFE];
	[sflag:s23] =	ssyncadd.s32 $0xFFFFFFFF  }
0xa5: {  	s26 =	simm.s32 $execute0_lowered;
	[smem:$0x3FD2] =	sst s25  }
0xa6: {  	s4 =	sshll.u32 s26, $0x1;
	_ =	strace $0x80000046;
	[dreg:$0x1] =	wrdreg $0xFFFFFFFF  }
0xa7: {  	s28 =	simm.s32 $_size_execute0_lowered;
	s2 =	sadd.s32 s2, s4;
	[dreg:$0x0] =	wrdreg $0x0  }
0xa8: {  	s4 =	sshll.u32 s28, $0x1;
	[dreg:$0x2] =	wrdreg s2  }
0xa9: {  	[dreg:$0x3] =	wrdreg s4  }
0xaa: {  	[dreg:$0x4] =	wrdreg $0xC0  }
0xab: {  	_ =	task [dreg:s6], $0x5FFFF  }
0xac: {  	[dreg:$0x1] =	wrdreg $0xFFFFFFFF  }
0xad: {  	[dreg:$0x0] =	wrdreg $0x60  }
0xae: {  	[dreg:$0x2] =	wrdreg s24  }
0xaf: {  	[dreg:$0x3] =	wrdreg $0x9  }
0xb0: {  	_ =	task.clear_ibuf [dreg:s6], $0x4FFFF;
	_ =	strace $0x90000046  }
0xb1: {  	s29 =	simm.s32 $0x9;
	_ =	strace $0x80000048  }
0xb2: {  	_ =	swait.ge [sflag:s29], $0x1  }
0xb3: {  	[sflag:s29] =	ssyncadd.s32 $0xFFFFFFFF  }
0xb4: {  	_ =	strace $0x90000048  }
0xb5: {  	_ =	sfence  }
0xb6: {  	s30 =	sld [smem:$0x0];
	_ =	sdelay $0x2  }
0xb7: {  	s31 =	sshll.u32 s1, $0xD;
	s1 =	sshrl.u32 s1, $0x2  }
0xb8: {  	s3 =	sand.u32 $0x4000, s31;
	s1 =	sadd.s32 s1, s30  }
0xb9: {  	s0 =	sor.u32 s3, s0;
	s1 =	sshll.u32 s1, $0x11  }
0xba: {  	s0 =	sor.u32 s1, s0  }
0xbb: {  	s0 =	sadd.s32 $0x8F2B, s0  }
0xbc: {  	[sflag:s0] =	ssyncadd.remote.s32 $0x1  }
0xbd: {  	_ =	sfence.sel $0xFFFF  }
0xbe: {  	[dreg:$0x0] =	wrdreg $0xFFFFFFFF;
	(pc) =	sbr.abs _section_cstart, $3  }
0xbf: {  	[dreg:$0x1] =	wrdreg $0xFFFFFFFF  }
0xc0: {  	_ =	task.clear_ibuf [dreg:s6], $0x2FFFF;
	_ =	strace $0x9FFFFFFF  }
0xc1: {  	(tm) =	ssettm $0x7FFFFFFF  }
tec
execute0_lowered:
.L_overlay_start_1:
0x0: {  	(tag) =	ssettag $0x1  }
0x1: {  	s1 =	srdreg.scid  }
0x2: {  	s0 =	stileid.u32;
	s6 =	rddreg [dreg:$0x0]  }
0x3: {  	s3 =	simm.s32 $0x0;
	s11 =	simm.s32 $0x400;
	s12 =	simm.s32 $0x3E80  }
0x4: {  	s13 =	simm.s32 $0x1;
	s14 =	simm.s32 $0x7D00;
	s15 =	simm.s32 $0x2  }
0x5: {  	s16 =	simm.s32 $0xBB80;
	s17 =	simm.s32 $0x3;
	s5 =	sand.u32 $0x1, s1  }
0x6: {  	s18 =	simm.s32 $0x4;
	s31 =	sshll.u32 s0, $0x4;
	s2 =	sshll.u32 s5, $0x3  }
0x7: {  	s19 =	simm.s32 $0x0;
	s1 =	rddreg [dreg:$0x1];
	s2 =	sor.u32 s2, s31  }
.Ltmp0:
0x8: {  	[smem:$0x7FF] =	sst s3;
	s8 =	sshrl.u32 s2, $0x3;
	(pc) =	sbr.rel .LBB2_1-.Ltmp0, $4  }
0x9: {  	v0 =	vlaneseq.u32;
	s4 =	sadd.s32 $0x800, s6;
	s9 =	ssub.s32 $0x2, s5;
	s7 =	smul.u32 $0x3E80, s8  }
0xa: {  	s6 =	sadd.s32 $0x7D800, s6;
	v1 =	vmul.u32 $0x3E8, v0;
	_ =	strace $0x80000047;
	s10 =	sshrl.u32 s9, $0x1  }
0xb: {  	v2 =	vimm.f32 $0.0e+00;
	v6 =	vimm.f32 $1.000000000e+00;
	s9 =	ssub.s32 s9, s10;
	s10 =	simm.s32 $0x80;
	s5 =	sadd.s32 s4, s7  }
0xc: {  	v3 =	vadd.s32 $0xFA, v1;
	v4 =	vadd.s32 $0x1F4, v1;
	v5 =	vadd.s32 $0x2EE, v1;
	s8 =	smul.u32 $0x1F400, s8;
	s9 =	smax.u32 s9, $0x1;
	s7 =	sadd.s32 $0x10, s5  }
.LBB2_10:
0xd: {  	s19 =	sadd.s32 $0x1, s19  }
0xe: {  	_ =	swait.ge [sflag:s17], $0x3E80;
	p0 =	sne.s32 s19, s9  }
.Ltmp1:
0xf: {  	[sflag:s17] =	ssyncset.done $0x0;
	(pc) =	sbr.rel @!p0 .LBB2_11-.Ltmp1, $4  }
0x10: {  	[sflag:s17] =	ssyncadd.s32 $0xFFFFC180  }
0x11: {  	_ =	swait.ge [sflag:s18], $0x3E80  }
0x12: {  	[sflag:s18] =	ssyncset.done $0x0  }
0x13: {  	[sflag:s18] =	ssyncadd.s32 $0xFFFFC180  }
.LBB2_1:
0x14: {  	s20 =	simm.s32 $0x40;
	s21 =	simm.s32 $0x0  }
.LBB2_2:
0x15: {  	p0 =	sne.s32 s20, $0xF9C0;
	[tilespmem:s21+$0x7D00] =	vst v2;
	s22 =	smov.u32 s20;
	s20 =	sadd.s32 $0x40, s20  }
.Ltmp2:
0x16: {  	[tilespmem:s21+$0xBB80] =	vst v2;
	(pc) =	sbr.rel @p0 .LBB2_2-.Ltmp2, $2  }
0x17: {  	_ =	sdelay $0x2  }
0x18: {  	s21 =	sshra.s32 s22, $0x2  }
0x19: {  	[tilespmem:s21+$0x7D00] =	vst v2  }
0x1a: {  	[tilespmem:s21+$0xBB80] =	vst v2;
	s20 =	simm.s32 $0x0  }
0x1b: {  	[tilespmem:s20], [sflag:$0x1] =	stream.strided.gather [hbm4b:s5+s10], $0x3E80, s11, s10, $0x38;
	[tilespmem:$0xFA00] =	vst v63  }
0x1c: {  	_ = 	snop  }
0x1d: {  	v7 =	vmov v1;
	v9 =	vmov v1;
	[tilespmem:s12], [sflag:$0x2] =	stream.strided.gather [hbm4b:s7+s10], $0x3E80, s11, s10, $0x38;
	[tilespmem:$0xFA00] =	vst v63  }
.LBB2_4:
0x1e: {  	_ = 	snop  }
0x1f: {  	_ =	swait.ge [sflag:s13], $0x3E80  }
0x20: {  	v11 =	vadd.s32 $0x3, v1;
	[sflag:s13] =	ssyncset.done $0x0  }
0x21: {  	v16 =	vadd.s32 $0x2, v1;
	[sflag:s13] =	ssyncadd.s32 $0xFFFFC180  }
0x22: {  	v12 =	vadd.s32 $0x2F0, v1;
	v23 =	vld.idx.msk [tilespmem:v1+s3+$0x0], $0xffff  }
0x23: {  	v19 =	vadd.s32 $0x2EF, v1;
	v33 =	vld.idx.msk [tilespmem:v5+s3+$0x0], $0xffff  }
0x24: {  	v24 =	vadd.s32 $0x1, v1;
	v43 =	vld.idx.msk [tilespmem:v3+s3+$0x0], $0xffff  }
0x25: {  	v17 =	vadd.s32 $0x1F4, v1;
	v28 =	vld.idx.msk [tilespmem:v11+s3+$0x0], $0xffff  }
0x26: {  	v15 =	vadd.s32 $0xFB, v1;
	v30 =	vld.idx.msk [tilespmem:v16+s3+$0x0], $0xffff  }
0x27: {  	v25 =	vadd.s32 $0x1F5, v1;
	v27 =	vld.idx.msk [tilespmem:v12+s3+$0x0], $0xffff  }
0x28: {  	v29 =	vimm.f32 $-Inf;
	v14 =	vadd.s32 $0xFD, v1;
	v26 =	vadd.s32 $0x2F1, v1;
	v32 =	vld.idx.msk [tilespmem:v19+s3+$0x0], $0xffff  }
0x29: {  	v10 =	vadd.s32 $0xFE, v1;
	v8 =	vadd.s32 $0x1F8, v1;
	v13 =	vadd.s32 $0x1F7, v1;
	v38 =	vld.idx.msk [tilespmem:v24+s3+$0x0], $0xffff  }
0x2a: {  	v20 =	vadd.s32 $0x2F2, v1;
	v21 =	vadd.s32 $0x5, v1;
	v22 =	vadd.s32 $0xFC, v1;
	v47 =	vld.idx.msk [tilespmem:v17+s3+$0x0], $0xffff  }
0x2b: {  	v18 =	vadd.s32 $0x1F6, v1;
	v31 =	vadd.s32 $0x4, v1;
	v41 =	vld.idx.msk [tilespmem:v15+s3+$0x0], $0xffff;
	vm0 =	vgt.f32 v23, v29  }
0x2c: {  	v35 =	vld.idx.msk [tilespmem:v25+s3+$0x0], $0xffff;
	v36 =	vmax.f32 v29, v33;
	v37 =	vsel vm0, v1, v1;
	vm0 =	vgt.f32 v33, v29  }
0x2d: {  	v42 =	vld.idx.msk [tilespmem:v26+s3+$0x0], $0xffff;
	v23 =	vmax.f32 v29, v23;
	v46 =	vmax.f32 v29, v43;
	v34 =	vsel vm0, v5, v5  }
0x2e: {  	v33 =	vmovc v4;
	v39 =	vmax.f32 v36, v32;
	vm1 =	vgt.f32 v38, v23;
	v44 =	vmax.f32 v23, v38  }
0x2f: {  	vm0 =	vgt.f32 v43, v29;
	v23 =	vld.idx.msk [tilespmem:v20+s3+$0x0], $0xffff;
	v43 =	vmax.f32 v29, v47;
	v40 =	vmax.f32 v39, v27  }
0x30: {  	s21 =	simm.s32 $0x31;
	v45 =	vmax.f32 v44, v30;
	v38 =	vsel vm0, v3, v3;
	vm0 =	vgt.f32 v47, v29;
	v29 =	vld.idx.msk [tilespmem:v31+s3+$0x0], $0xffff  }
.LBB2_5:
0x31: {  	p0 =	sne.s32 s21, $0x1;
	s21 =	sadd.s32 $0xFFFFFFFF, s21;
	vm2 =	vgt.f32 v41, v46;
	v41 =	vmax.f32 v46, v41;
	vm3 =	vgt.f32 v28, v45;
	v46 =	vmovc v21  }
0x32: {  	v47 =	vadd.s32 $0x2EE, v21;
	v48 =	vadd.s32 $0x2F0, v21;
	v49 =	vadd.s32 $0x3, v21  }
0x33: {  	v50 =	vadd.s32 $0xFB, v21;
	v51 =	vadd.s32 $0x2, v21;
	vm4 =	vgt.f32 v35, v43  }
0x34: {  	vm5 =	vgt.f32 v30, v44;
	v44 =	vmax.f32 v45, v28;
	v45 =	vmax.f32 v40, v42;
	v30 =	vld.idx.msk [tilespmem:v18+s3+$0x0], $0xffff  }
0x35: {  	v24 =	vsel vm1, v24, v37;
	vm1 =	vgt.f32 v42, v40;
	vm6 =	vgt.f32 v23, v45;
	v28 =	vld.idx.msk [tilespmem:v22+s3+$0x0], $0xffff  }
0x36: {  	vm7 =	vgt.f32 v32, v36;
	vm8 =	vgt.f32 v27, v39;
	vm9 =	vgt.f32 v29, v44;
	v27 =	vld.idx.msk [tilespmem:v14+s3+$0x0], $0xffff  }
0x37: {  	v32 =	vmax.f32 v43, v35;
	v19 =	vsel vm7, v19, v34;
	v16 =	vsel vm5, v16, v24;
	v34 =	vld.idx.msk [tilespmem:v13+s3+$0x0], $0xffff  }
0x38: {  	v17 =	vsel vm0, v17, v33;
	v19 =	vsel vm8, v12, v19;
	v11 =	vsel vm3, v11, v16;
	v33 =	vld.idx.msk [tilespmem:v8+s3+$0x0], $0xffff  }
0x39: {  	v35 =	vsel vm2, v15, v38;
	v25 =	vsel vm4, v25, v17;
	v15 =	vsel vm1, v26, v19;
	v26 =	vld.idx.msk [tilespmem:v10+s3+$0x0], $0xffff  }
0x3a: {  	v12 =	vmovc v48;
	v38 =	vsel vm6, v20, v15;
	v36 =	vsel vm9, v31, v11;
	vm0 =	vgt.f32 v30, v32  }
0x3b: {  	v11 =	vmovc v49;
	v30 =	vmax.f32 v32, v30;
	vm1 =	vgt.f32 v28, v41;
	v20 =	vmax.f32 v41, v28  }
0x3c: {  	v43 =	vadd.s32 $0xFA, v21;
	v17 =	vadd.s32 $0x1F4, v21;
	v16 =	vmovc v51;
	v15 =	vmovc v50;
	vm2 =	vgt.f32 v27, v20;
	v39 =	vld.idx.msk [tilespmem:v21+s3+$0x0], $0xffff  }
0x3d: {  	v24 =	vadd.s32 $0x1, v21;
	v19 =	vadd.s32 $0x2EF, v21;
	vm3 =	vgt.f32 v34, v30  }
0x3e: {  	v22 =	vsel vm1, v22, v35;
	v20 =	vmax.f32 v20, v27;
	v31 =	vmax.f32 v30, v34;
	v28 =	vld.idx.msk [tilespmem:v49+s3+$0x0], $0xffff  }
0x3f: {  	v14 =	vsel vm2, v14, v22;
	vm2 =	vgt.f32 v33, v31;
	vm1 =	vgt.f32 v26, v20;
	v30 =	vld.idx.msk [tilespmem:v51+s3+$0x0], $0xffff  }
0x40: {  	v18 =	vsel vm0, v18, v25;
	v49 =	vmax.f32 v31, v33;
	v27 =	vld.idx.msk [tilespmem:v48+s3+$0x0], $0xffff;
	v48 =	vsel vm1, v10, v14  }
0x41: {  	v29 =	vmax.f32 v44, v29;
	v50 =	vmax.f32 v20, v26;
	v10 =	vsel vm3, v13, v18;
	v34 =	vld.idx.msk [tilespmem:v47+s3+$0x0], $0xffff  }
0x42: {  	v23 =	vmax.f32 v45, v23;
	vm0 =	vgt.f32 v39, v29;
	v33 =	vsel vm2, v8, v10;
	v32 =	vld.idx.msk [tilespmem:v19+s3+$0x0], $0xffff  }
0x43: {  	v25 =	vadd.s32 $0x1F5, v21;
	v14 =	vadd.s32 $0xFD, v21;
	v40 =	vld.idx.msk [tilespmem:v24+s3+$0x0], $0xffff  }
0x44: {  	v26 =	vadd.s32 $0x2F1, v21;
	v10 =	vadd.s32 $0xFE, v21;
	v8 =	vadd.s32 $0x1F8, v21;
	v45 =	vld.idx.msk [tilespmem:v43+s3+$0x0], $0xffff  }
0x45: {  	v20 =	vadd.s32 $0x2F2, v46;
	v13 =	vadd.s32 $0x1F7, v46;
	v21 =	vadd.s32 $0x5, v21;
	v51 =	vld.idx.msk [tilespmem:v17+s3+$0x0], $0xffff  }
0x46: {  	v22 =	vadd.s32 $0xFC, v46;
	v31 =	vadd.s32 $0x4, v46;
	v18 =	vadd.s32 $0x1F6, v46;
	v41 =	vld.idx.msk [tilespmem:v15+s3+$0x0], $0xffff  }
.Ltmp3:
0x47: {  	v37 =	vsel vm0, v46, v36;
	vm0 =	vgt.f32 v34, v23;
	v36 =	vmax.f32 v23, v34;
	(pc) =	sbr.rel @p0 .LBB2_5-.Ltmp3, $4  }
0x48: {  	v23 =	vmax.f32 v29, v39;
	v34 =	vsel vm0, v47, v38;
	v39 =	vmax.f32 v36, v32;
	v35 =	vld.idx.msk [tilespmem:v25+s3+$0x0], $0xffff  }
0x49: {  	vm1 =	vgt.f32 v40, v23;
	v44 =	vmax.f32 v23, v40;
	v40 =	vmax.f32 v39, v27;
	v42 =	vld.idx.msk [tilespmem:v26+s3+$0x0], $0xffff  }
0x4a: {  	vm0 =	vgt.f32 v45, v50;
	v46 =	vmax.f32 v50, v45;
	v45 =	vmax.f32 v44, v30;
	v23 =	vld.idx.msk [tilespmem:v20+s3+$0x0], $0xffff  }
0x4b: {  	v38 =	vsel vm0, v43, v48;
	vm0 =	vgt.f32 v51, v49;
	v43 =	vmax.f32 v49, v51;
	v29 =	vld.idx.msk [tilespmem:v31+s3+$0x0], $0xffff  }
0x4c: {  	_ =	sdelay $0x2  }
0x4d: {  	vm2 =	vgt.f32 v41, v46;
	v21 =	vmax.f32 v46, v41;
	vm3 =	vgt.f32 v28, v45  }
0x4e: {  	vm5 =	vgt.f32 v30, v44;
	v30 =	vld.idx.msk [tilespmem:v18+s3+$0x0], $0xffff;
	v28 =	vmax.f32 v45, v28;
	v24 =	vsel vm1, v24, v37  }
0x4f: {  	v55 =	vld.idx.msk [tilespmem:v22+s3+$0x0], $0xffff;
	vm7 =	vgt.f32 v32, v36;
	vm8 =	vgt.f32 v27, v39;
	v17 =	vsel vm0, v17, v33  }
0x50: {  	v27 =	vld.idx.msk [tilespmem:v14+s3+$0x0], $0xffff;
	vm4 =	vgt.f32 v35, v43;
	v56 =	vmax.f32 v43, v35;
	v19 =	vsel vm7, v19, v34  }
0x51: {  	v57 =	vld.idx.msk [tilespmem:v13+s3+$0x0], $0xffff;
	v16 =	vsel vm5, v16, v24;
	v15 =	vsel vm2, v15, v38;
	v54 =	vmax.f32 v40, v42  }
0x52: {  	vm6 =	vgt.f32 v42, v40;
	v12 =	vsel vm8, v12, v19;
	v11 =	vsel vm3, v11, v16  }
0x53: {  	v16 =	vsel vm4, v25, v17;
	v17 =	vld.idx.msk [tilespmem:v10+s3+$0x0], $0xffff;
	vm1 =	vgt.f32 v23, v54;
	vm9 =	vgt.f32 v29, v28  }
0x54: {  	v19 =	vld.idx.msk [tilespmem:v8+s3+$0x0], $0xffff;
	v12 =	vsel vm6, v26, v12;
	vm0 =	vgt.f32 v30, v56;
	v11 =	vsel vm9, v31, v11  }
0x55: {  	vm2 =	vgt.f32 v55, v21;
	v21 =	vmax.f32 v21, v55;
	v24 =	vmax.f32 v56, v30  }
0x56: {  	vm3 =	vgt.f32 v27, v21;
	vm15 =	vgt.f32 v57, v24;
	v15 =	vsel vm2, v22, v15  }
0x57: {  	v21 =	vmax.f32 v21, v27;
	v22 =	vmax.f32 v24, v57;
	v14 =	vsel vm3, v14, v15  }
0x58: {  	vm2 =	vgt.f32 v17, v21;
	v15 =	vmax.f32 v28, v29;
	v17 =	vmax.f32 v21, v17  }
0x59: {  	v16 =	vsel vm0, v18, v16;
	vm3 =	vgt.f32 v19, v22;
	vm0 =	vgt.f32 v17, v15  }
0x5a: {  	v18 =	vmax.f32 v22, v19;
	v13 =	vsel vm15, v13, v16;
	v15 =	vsel vm0, v17, v15  }
0x5b: {  	v10 =	vsel vm2, v10, v14;
	v8 =	vsel vm3, v8, v13;
	vm2 =	vgt.f32 v18, v15  }
0x5c: {  	v13 =	vmax.f32 v54, v23;
	v10 =	vsel vm0, v10, v11;
	v11 =	vsel vm2, v18, v15  }
0x5d: {  	p0 =	seq.s32 s20, $0x0;
	v12 =	vsel vm1, v20, v12;
	v8 =	vsel vm2, v8, v10;
	vm0 =	vgt.f32 v13, v11  }
0x5e: {  	s21 =	simm.s32 @!p0 $0x3;
	v8 =	vsel vm0, v12, v8  }
0x5f: {  	_ =	swait.ge @!p0 [sflag:s21], $0x3E80  }
0x60: {  	s22 =	sshll.u32 s20, $0x8;
	[sflag:s21] =	ssyncset.done @!p0 $0x0  }
0x61: {  	s22 =	sadd.s32 s8, s22;
	[sflag:s21] =	ssyncadd.s32 @!p0 $0xFFFFC180  }
0x62: {  	s22 =	sshrl.u32 s22, $0x3;
	[tilespmem:v9+s14+$0x0] =	vst.idx.msk $0xffff, v2  }
0x63: {  	s22 =	sadd.s32 s6, s22;
	s21 =	sshll.u32 s20, $0x1;
	[tilespmem:v8+s14+$0x0] =	vst.idx.msk $0xffff, v6  }
0x64: {  	[hbm4b:s22+s10] =	stream.strided.scatter [tilespmem:s14], [sflag:$0x3], $0x3E80, s11, s10, $0x38;
	[tilespmem:$0xFA00] =	vst v63  }
0x65: {  	p1 =	seq.s32 s20, $0x3;
	s22 =	sor.u32 s2, s21  }
0x66: {  	s22 =	sadd.s32 @!p1 $0x2, s22  }
0x67: {  	s23 =	sshrl.u32 @!p1 s22, $0x3  }
0x68: {  	s22 =	sshll.u32 @!p1 s22, $0x7;
	s23 =	smul.u32 @!p1 $0x1F400, s23  }
0x69: {  	s22 =	sand.u32 @!p1 $0x300, s22  }
0x6a: {  	s22 =	sor.u32 @!p1 s22, s23  }
0x6b: {  	s24 =	simm.s32 @!p1 $0x400;
	v23 =	vmul.u32 $0x3E8, v0;
	s22 =	sshrl.u32 @!p1 s22, $0x3  }
0x6c: {  	s25 =	simm.s32 @!p1 $0x0;
	s23 =	simm.s32 @!p1 $0x80;
	s22 =	sadd.s32 @!p1 s4, s22  }
0x6d: {  	v10 =	vadd.s32 $0x3, v23;
	[tilespmem:s25], [sflag:$0x1] =	stream.strided.gather @!p1 [hbm4b:s22+s23], $0x3E80, s24, s23, $0x38;
	[tilespmem:$0xFA00] =	vst v63  }
0x6e: {  	v31 =	vadd.s32 $0x2EE, v23;
	_ =	swait.ge [sflag:s15], $0x3E80  }
0x6f: {  	v59 =	vadd.s32 $0xFA, v23;
	[sflag:s15] =	ssyncset.done $0x0  }
0x70: {  	v17 =	vadd.s32 $0x1F4, v23;
	[sflag:s15] =	ssyncadd.s32 $0xFFFFC180  }
0x71: {  	v19 =	vadd.s32 $0x2EF, v23;
	v58 =	vld.idx.msk [tilespmem:v23+s12+$0x0], $0xffff  }
0x72: {  	v24 =	vadd.s32 $0x1, v23;
	v29 =	vld.idx.msk [tilespmem:v10+s12+$0x0], $0xffff  }
0x73: {  	v11 =	vadd.s32 $0x2F0, v23;
	v61 =	vld.idx.msk [tilespmem:v31+s12+$0x0], $0xffff  }
0x74: {  	v15 =	vadd.s32 $0x2, v23;
	v63 =	vld.idx.msk [tilespmem:v59+s12+$0x0], $0xffff  }
0x75: {  	v60 =	vimm.f32 $-Inf;
	v25 =	vadd.s32 $0x1F4, v23;
	v16 =	vadd.s32 $0xFB, v23;
	v47 =	vld.idx.msk [tilespmem:v17+s12+$0x0], $0xffff  }
0x76: {  	v26 =	vadd.s32 $0x1F5, v23;
	v14 =	vadd.s32 $0xFD, v23;
	v28 =	vadd.s32 $0x2F1, v23;
	v33 =	vld.idx.msk [tilespmem:v19+s12+$0x0], $0xffff  }
0x77: {  	v9 =	vadd.s32 $0x1F8, v23;
	v20 =	vadd.s32 $0x2F2, v23;
	v21 =	vadd.s32 $0x5, v23;
	v62 =	vld.idx.msk [tilespmem:v24+s12+$0x0], $0xffff  }
0x78: {  	v22 =	vadd.s32 $0xFC, v23;
	v32 =	vadd.s32 $0x4, v23;
	v18 =	vadd.s32 $0x1F6, v23;
	v27 =	vld.idx.msk [tilespmem:v11+s12+$0x0], $0xffff  }
0x79: {  	v13 =	vadd.s32 $0x1F7, v23;
	v12 =	vadd.s32 $0xFE, v23;
	v30 =	vld.idx.msk [tilespmem:v15+s12+$0x0], $0xffff;
	vm0 =	vgt.f32 v58, v60  }
0x7a: {  	v41 =	vld.idx.msk [tilespmem:v16+s12+$0x0], $0xffff;
	v36 =	vmax.f32 v60, v61;
	v46 =	vmax.f32 v60, v63;
	v43 =	vmax.f32 v60, v47  }
0x7b: {  	v35 =	vld.idx.msk [tilespmem:v26+s12+$0x0], $0xffff;
	v37 =	vsel vm0, v23, v23;
	vm0 =	vgt.f32 v61, v60;
	v23 =	vmax.f32 v60, v58  }
0x7c: {  	v42 =	vld.idx.msk [tilespmem:v28+s12+$0x0], $0xffff;
	v39 =	vmax.f32 v36, v33;
	v34 =	vsel vm0, v31, v31;
	vm1 =	vgt.f32 v62, v23  }
0x7d: {  	v44 =	vmax.f32 v23, v62;
	v40 =	vmax.f32 v39, v27;
	vm0 =	vgt.f32 v63, v60;
	v23 =	vld.idx.msk [tilespmem:v20+s12+$0x0], $0xffff  }
0x7e: {  	s22 =	simm.s32 $0x31;
	v31 =	vld.idx.msk [tilespmem:v32+s12+$0x0], $0xffff;
	v45 =	vmax.f32 v44, v30;
	v38 =	vsel vm0, v59, v59;
	vm0 =	vgt.f32 v47, v60  }
.LBB2_7:
0x7f: {  	p2 =	sne.s32 s22, $0x1;
	s22 =	sadd.s32 $0xFFFFFFFF, s22;
	vm2 =	vgt.f32 v41, v46;
	v41 =	vmax.f32 v46, v41;
	vm3 =	vgt.f32 v29, v45;
	v46 =	vmovc v21  }
0x80: {  	v47 =	vadd.s32 $0x2EE, v21;
	v48 =	vadd.s32 $0x2F0, v21;
	v49 =	vadd.s32 $0x3, v21  }
0x81: {  	v50 =	vadd.s32 $0xFB, v21;
	v51 =	vadd.s32 $0x2, v21;
	vm4 =	vgt.f32 v35, v43  }
0x82: {  	vm5 =	vgt.f32 v30, v44;
	v44 =	vmax.f32 v45, v29;
	v45 =	vmax.f32 v40, v42;
	v30 =	vld.idx.msk [tilespmem:v18+s12+$0x0], $0xffff  }
0x83: {  	v24 =	vsel vm1, v24, v37;
	vm1 =	vgt.f32 v42, v40;
	vm6 =	vgt.f32 v23, v45;
	v29 =	vld.idx.msk [tilespmem:v22+s12+$0x0], $0xffff  }
0x84: {  	vm7 =	vgt.f32 v33, v36;
	vm8 =	vgt.f32 v27, v39;
	vm9 =	vgt.f32 v31, v44;
	v27 =	vld.idx.msk [tilespmem:v14+s12+$0x0], $0xffff  }
0x85: {  	v33 =	vmax.f32 v43, v35;
	v19 =	vsel vm7, v19, v34;
	v15 =	vsel vm5, v15, v24;
	v34 =	vld.idx.msk [tilespmem:v13+s12+$0x0], $0xffff  }
0x86: {  	v17 =	vsel vm0, v17, v25;
	v19 =	vsel vm8, v11, v19;
	v10 =	vsel vm3, v10, v15;
	v25 =	vld.idx.msk [tilespmem:v9+s12+$0x0], $0xffff  }
0x87: {  	v35 =	vsel vm2, v16, v38;
	v26 =	vsel vm4, v26, v17;
	v15 =	vsel vm1, v28, v19;
	v28 =	vld.idx.msk [tilespmem:v12+s12+$0x0], $0xffff  }
0x88: {  	v11 =	vmovc v48;
	v38 =	vsel vm6, v20, v15;
	v36 =	vsel vm9, v32, v10;
	vm0 =	vgt.f32 v30, v33  }
0x89: {  	v10 =	vmovc v49;
	v30 =	vmax.f32 v33, v30;
	vm1 =	vgt.f32 v29, v41;
	v20 =	vmax.f32 v41, v29  }
0x8a: {  	v43 =	vadd.s32 $0xFA, v21;
	v16 =	vmovc v50;
	v17 =	vadd.s32 $0x1F4, v21;
	v15 =	vmovc v51;
	vm2 =	vgt.f32 v27, v20;
	v39 =	vld.idx.msk [tilespmem:v21+s12+$0x0], $0xffff  }
0x8b: {  	v24 =	vadd.s32 $0x1, v21;
	v19 =	vadd.s32 $0x2EF, v21;
	vm3 =	vgt.f32 v34, v30  }
0x8c: {  	v22 =	vsel vm1, v22, v35;
	v20 =	vmax.f32 v20, v27;
	v32 =	vmax.f32 v30, v34;
	v29 =	vld.idx.msk [tilespmem:v49+s12+$0x0], $0xffff  }
0x8d: {  	v14 =	vsel vm2, v14, v22;
	vm2 =	vgt.f32 v25, v32;
	vm1 =	vgt.f32 v28, v20;
	v30 =	vld.idx.msk [tilespmem:v51+s12+$0x0], $0xffff  }
0x8e: {  	v18 =	vsel vm0, v18, v26;
	v49 =	vmax.f32 v32, v25;
	v27 =	vld.idx.msk [tilespmem:v48+s12+$0x0], $0xffff;
	v48 =	vsel vm1, v12, v14  }
0x8f: {  	v31 =	vmax.f32 v44, v31;
	v50 =	vmax.f32 v20, v28;
	v12 =	vsel vm3, v13, v18;
	v34 =	vld.idx.msk [tilespmem:v47+s12+$0x0], $0xffff  }
0x90: {  	v23 =	vmax.f32 v45, v23;
	vm0 =	vgt.f32 v39, v31;
	v25 =	vsel vm2, v9, v12;
	v33 =	vld.idx.msk [tilespmem:v19+s12+$0x0], $0xffff  }
0x91: {  	v26 =	vadd.s32 $0x1F5, v21;
	v14 =	vadd.s32 $0xFD, v21;
	v40 =	vld.idx.msk [tilespmem:v24+s12+$0x0], $0xffff  }
0x92: {  	v28 =	vadd.s32 $0x2F1, v21;
	v12 =	vadd.s32 $0xFE, v21;
	v9 =	vadd.s32 $0x1F8, v21;
	v45 =	vld.idx.msk [tilespmem:v43+s12+$0x0], $0xffff  }
0x93: {  	v20 =	vadd.s32 $0x2F2, v46;
	v13 =	vadd.s32 $0x1F7, v46;
	v21 =	vadd.s32 $0x5, v21;
	v51 =	vld.idx.msk [tilespmem:v17+s12+$0x0], $0xffff  }
0x94: {  	v22 =	vadd.s32 $0xFC, v46;
	v32 =	vadd.s32 $0x4, v46;
	v18 =	vadd.s32 $0x1F6, v46;
	v41 =	vld.idx.msk [tilespmem:v16+s12+$0x0], $0xffff  }
.Ltmp4:
0x95: {  	v37 =	vsel vm0, v46, v36;
	vm0 =	vgt.f32 v34, v23;
	v36 =	vmax.f32 v23, v34;
	(pc) =	sbr.rel @p2 .LBB2_7-.Ltmp4, $4  }
0x96: {  	v23 =	vmax.f32 v31, v39;
	v34 =	vsel vm0, v47, v38;
	v39 =	vmax.f32 v36, v33;
	v35 =	vld.idx.msk [tilespmem:v26+s12+$0x0], $0xffff  }
0x97: {  	vm1 =	vgt.f32 v40, v23;
	v44 =	vmax.f32 v23, v40;
	v40 =	vmax.f32 v39, v27;
	v42 =	vld.idx.msk [tilespmem:v28+s12+$0x0], $0xffff  }
0x98: {  	vm0 =	vgt.f32 v45, v50;
	v46 =	vmax.f32 v50, v45;
	v45 =	vmax.f32 v44, v30;
	v23 =	vld.idx.msk [tilespmem:v20+s12+$0x0], $0xffff  }
0x99: {  	v38 =	vsel vm0, v43, v48;
	vm0 =	vgt.f32 v51, v49;
	v43 =	vmax.f32 v49, v51;
	v31 =	vld.idx.msk [tilespmem:v32+s12+$0x0], $0xffff  }
0x9a: {  	_ =	sdelay $0x1  }
0x9b: {  	vm2 =	vgt.f32 v41, v46;
	v21 =	vmax.f32 v46, v41;
	vm3 =	vgt.f32 v29, v45  }
0x9c: {  	vm5 =	vgt.f32 v30, v44;
	v45 =	vmax.f32 v45, v29;
	v24 =	vsel vm1, v24, v37  }
0x9d: {  	v44 =	vld.idx.msk [tilespmem:v18+s12+$0x0], $0xffff;
	vm7 =	vgt.f32 v33, v36;
	vm8 =	vgt.f32 v27, v39;
	v17 =	vsel vm0, v17, v25  }
0x9e: {  	v47 =	vld.idx.msk [tilespmem:v22+s12+$0x0], $0xffff;
	vm4 =	vgt.f32 v35, v43;
	v49 =	vmax.f32 v43, v35;
	v19 =	vsel vm7, v19, v34  }
0x9f: {  	v48 =	vld.idx.msk [tilespmem:v14+s12+$0x0], $0xffff;
	v15 =	vsel vm5, v15, v24;
	v51 =	vsel vm2, v16, v38;
	v46 =	vmax.f32 v40, v42  }
0xa0: {  	v50 =	vld.idx.msk [tilespmem:v13+s12+$0x0], $0xffff;
	vm6 =	vgt.f32 v42, v40;
	v11 =	vsel vm8, v11, v19;
	v10 =	vsel vm3, v10, v15  }
0xa1: {  	v53 =	vld.idx.msk [tilespmem:v12+s12+$0x0], $0xffff;
	v52 =	vsel vm4, v26, v17;
	vm1 =	vgt.f32 v23, v46;
	v11 =	vsel vm6, v28, v11  }
0xa2: {  	v62 =	vmax.f32 v46, v23;
	vm9 =	vgt.f32 v31, v45;
	v58 =	vmax.f32 v45, v31  }
0xa3: {  	v54 =	vld.idx.msk [tilespmem:v9+s12+$0x0], $0xffff;
	vm15 =	vgt.f32 v44, v49;
	vm8 =	vgt.f32 v47, v21;
	v21 =	vmax.f32 v21, v47  }
0xa4: {  	v10 =	vsel vm9, v32, v10;
	v55 =	vmax.f32 v49, v44;
	vm9 =	vgt.f32 v48, v21  }
0xa5: {  	vm10 =	vgt.f32 v50, v55;
	v15 =	vsel vm8, v22, v51;
	v21 =	vmax.f32 v21, v48  }
0xa6: {  	v56 =	vmax.f32 v55, v50;
	v16 =	vsel vm15, v18, v52;
	v17 =	vmax.f32 v21, v53  }
0xa7: {  	v57 =	vsel vm9, v14, v15;
	vm11 =	vgt.f32 v53, v21;
	vm13 =	vgt.f32 v17, v58  }
0xa8: {  	vm12 =	vgt.f32 v54, v56;
	v59 =	vmax.f32 v56, v54;
	v15 =	vsel vm13, v17, v58  }
0xa9: {  	v60 =	vsel vm10, v13, v16;
	v61 =	vsel vm11, v12, v57;
	vm14 =	vgt.f32 v59, v15  }
0xaa: {  	v9 =	vsel vm12, v9, v60;
	v10 =	vsel vm13, v61, v10;
	v63 =	vsel vm14, v59, v15  }
0xab: {  	v11 =	vsel vm1, v20, v11;
	v9 =	vsel vm14, v9, v10;
	vm15 =	vgt.f32 v62, v63  }
0xac: {  	s22 =	simm.s32 @!p0 $0x4;
	v9 =	vsel vm15, v11, v9  }
0xad: {  	s21 =	sor.u32 $0x1, s21;
	_ =	swait.ge @!p0 [sflag:s22], $0x3E80  }
.Ltmp5:
0xae: {  	s23 =	sshll.u32 s21, $0x7;
	[sflag:s22] =	ssyncset.done @!p0 $0x0;
	(pc) =	sbr.rel @p1 .LBB2_10-.Ltmp5, $4  }
0xaf: {  	s23 =	sadd.s32 s8, s23;
	[sflag:s22] =	ssyncadd.s32 @!p0 $0xFFFFC180  }
0xb0: {  	s31 =	sshrl.u32 s23, $0x3;
	[tilespmem:v7+s16+$0x0] =	vst.idx.msk $0xffff, v2  }
0xb1: {  	s22 =	sadd.s32 s6, s31;
	[tilespmem:v9+s16+$0x0] =	vst.idx.msk $0xffff, v6  }
0xb2: {  	[hbm4b:s22+s10] =	stream.strided.scatter [tilespmem:s16], [sflag:$0x4], $0x3E80, s11, s10, $0x38;
	[tilespmem:$0xFA00] =	vst v63  }
0xb3: {  	s21 =	sor.u32 s2, s21  }
0xb4: {  	s21 =	sadd.s32 $0x2, s21  }
0xb5: {  	s22 =	sshrl.u32 s21, $0x3  }
0xb6: {  	s21 =	sshll.u32 s21, $0x7;
	s22 =	smul.u32 $0x1F400, s22  }
.Ltmp6:
0xb7: {  	s21 =	sand.u32 $0x380, s21;
	(pc) =	sbr.rel .LBB2_4-.Ltmp6, $4  }
0xb8: {  	s21 =	sor.u32 s21, s22  }
0xb9: {  	s21 =	sshrl.u32 s21, $0x3  }
0xba: {  	s20 =	sadd.s32 $0x1, s20;
	s21 =	sadd.s32 s4, s21  }
0xbb: {  	v7 =	vmov v9;
	v9 =	vmov v8;
	[tilespmem:s12], [sflag:$0x2] =	stream.strided.gather [hbm4b:s21+s10], $0x3E80, s11, s10, $0x38;
	[tilespmem:$0xFA00] =	vst v63  }
.LBB2_11:
0xbc: {  	_ =	sfence.sel $0x180000  }
0xbd: {  	[bflag:$0x0] =	sbarrier.arrive $0xFFFF  }
0xbe: {  	p0 =	sne.s32 s0, $0x0;
	_ =	strace $0x90000047  }
0xbf: {  	s0 =	sadd.s32 @!p0 $0x100000, s1;
	[bflag:$0x2] =	sbarrier.arrive $0xFFFF  }
0xc0: {  	[sflag:s0] =	ssyncadd.tile.s32 @!p0 $0x1;
	_ =	shalt  }
.Lfunc_end2:
_tile_overlayer_lowered:
.L_overlay_start_2:
0xc1: {  	(tag) =	ssettag $0x2  }
0xc2: {  	s0 =	rddreg [dreg:$0x0];
	s2 =	stileid.u32  }
0xc3: {  	s1 =	rddreg [dreg:$0x1];
	p0 =	sne.s32 s2, $0x0  }
0xc4: {  	s3 =	rddreg [dreg:$0x2];
	[bflag:$0x3] =	sbarrier.arrive $0xFFFF;
	s2 =	simm.s32 @!p0 $0x1C05  }
0xc5: {  	[timem:s3], [sflag:s2] =	dma.local @!p0 [hbm:s0], s1  }
0xc6: {  	s0 =	simm.s32 @!p0 $0x5  }
0xc7: {  	_ =	swait.ge @!p0 [sflag:s0], s1  }
0xc8: {  	s1 =	ssub.s32 @!p0 $0x0, s1;
	[sflag:s0] =	ssyncset.done @!p0 $0x0  }
0xc9: {  	[sflag:s0] =	ssyncadd.s32 @!p0 s1  }
0xca: {  	[bflag:$0x3] =	sbarrier.arrive $0xFFFF  }
0xcb: {  	_ =	shalt  }

// kernel: sparse-core-data-format-call.cloned.1.call-start
scs
called_computation_lowered:
.L_overlay_start_0:
0x0: {  	s2 =	sld [smem:$0x3FD9]  }
0x1: {  	s3 =	sld [smem:$0x3FFE];
	_ =	sdelay $0x1  }
0x2: {  	s1 =	srdreg.scid  }
0x3: {  	s0 =	sand.u32 $0x1, s1  }
0x4: {  	s18 =	sshll.u32 s0, $0xA;
	s2 =	sadd.s32 s3, s2  }
0x5: {  	s2 =	sadd.s32 s2, s18  }
0x6: {  	[smem:$0x3FC7] =	sst s2  }
0x7: {  	_ = 	snop  }
0x8: {  	s2 =	sld [smem:$0x3FD0];
	(tm) =	ssettm $0x1  }
0x9: {  	s19 =	sld [smem:$0x3FFB];
	_ =	sdelay $0x3  }
0xa: {  	_ =	strace s19  }
0xb: {  	s3 =	sld [smem:$0x3FFC];
	_ =	sdelay $0x3  }
0xc: {  	_ =	strace s3  }
0xd: {  	s3 =	sld [smem:$0x3FFD];
	_ =	sdelay $0x3  }
0xe: {  	_ =	strace s3  }
0xf: {  	_ =	strace $0x8FFFFFFF  }
0x10: {  	s20 =	sld [smem:$0x3FDB];
	_ =	sdelay $0x1  }
0x11: {  	s4 =	simm.s32 $_scs_section_size  }
0x12: {  	s5 =	simm.s32 $_size__tile_overlayer_lowered;
	s6 =	simm.s32 $_tile_overlayer_lowered  }
0x13: {  	s23 =	simm.s32 $0x1BFF;
	s22 =	sshll.u32 s6, $0x1;
	s3 =	sadd.s32 s4, s20  }
0x14: {  	s7 =	simm.s32 $0x0;
	s21 =	sshll.u32 s5, $0x1;
	s5 =	sadd.s32 s22, s3  }
0x15: {  	[timem:s7], [sflag:s23] =	dma.local [hbm:s5], s21  }
0x16: {  	_ =	swait.ge [sflag:s23], s21  }
0x17: {  	s4 =	ssub.s32 $0x0, s21;
	[sflag:s23] =	ssyncset.done $0x0  }
0x18: {  	[sflag:s23] =	ssyncadd.s32 s4;
	_ =	sdelay $0x1  }
0x19: {  	s24 =	simm.s32 $0x1B8B  }
0x1a: {  	_ =	swait.ge [sflag:s24], $0x1  }
0x1b: {  	[sflag:s24] =	ssyncset.done $0x0  }
0x1c: {  	s26 =	simm.s32 $0x1B8E;
	s25 =	sld [smem:$0x3FFE];
	[sflag:s24] =	ssyncadd.s32 $0xFFFFFFFF  }
0x1d: {  	s27 =	simm.s32 $execute0_lowered;
	[smem:$0x3FD2] =	sst s26  }
0x1e: {  	s5 =	sshll.u32 s27, $0x1;
	_ =	strace $0x80000049;
	[dreg:$0x1] =	wrdreg $0xFFFFFFFF  }
0x1f: {  	s28 =	simm.s32 $_size_execute0_lowered;
	s3 =	sadd.s32 s3, s5;
	[dreg:$0x0] =	wrdreg $0x0  }
0x20: {  	s5 =	sshll.u32 s28, $0x1;
	[dreg:$0x2] =	wrdreg s3  }
0x21: {  	[dreg:$0x3] =	wrdreg s5  }
0x22: {  	[dreg:$0x4] =	wrdreg $0xC0  }
0x23: {  	_ =	task [dreg:s7], $0x5FFFF  }
0x24: {  	[dreg:$0x1] =	wrdreg $0xFFFFFFFF  }
0x25: {  	[dreg:$0x0] =	wrdreg $0x60  }
0x26: {  	[dreg:$0x2] =	wrdreg s25  }
0x27: {  	[dreg:$0x3] =	wrdreg s2  }
0x28: {  	[dreg:$0x4] =	wrdreg $0x9  }
0x29: {  	_ =	task.clear_ibuf [dreg:s7], $0x5FFFF;
	_ =	strace $0x90000049  }
0x2a: {  	s29 =	simm.s32 $0x9;
	_ =	strace $0x8000004B  }
0x2b: {  	_ =	swait.ge [sflag:s29], $0x1  }
0x2c: {  	[sflag:s29] =	ssyncadd.s32 $0xFFFFFFFF  }
0x2d: {  	_ =	strace $0x9000004B  }
0x2e: {  	_ =	sfence  }
0x2f: {  	s30 =	sld [smem:$0x0];
	_ =	sdelay $0x2  }
0x30: {  	s31 =	sshll.u32 s1, $0xD;
	s1 =	sshrl.u32 s1, $0x2  }
0x31: {  	s3 =	sand.u32 $0x4000, s31;
	s1 =	sadd.s32 s1, s30  }
0x32: {  	s0 =	sor.u32 s3, s0;
	s1 =	sshll.u32 s1, $0x11  }
0x33: {  	s0 =	sor.u32 s1, s0  }
0x34: {  	s0 =	sadd.s32 $0x8F2B, s0  }
0x35: {  	[sflag:s0] =	ssyncadd.remote.s32 $0x1  }
0x36: {  	_ =	sfence.sel $0xFFFF  }
0x37: {  	[dreg:$0x0] =	wrdreg $0xFFFFFFFF;
	(pc) =	sbr.abs _section_cstart, $3  }
0x38: {  	[dreg:$0x1] =	wrdreg $0xFFFFFFFF  }
0x39: {  	_ =	task.clear_ibuf [dreg:s7], $0x2FFFF;
	_ =	strace $0x9FFFFFFF  }
0x3a: {  	(tm) =	ssettm $0x7FFFFFFF  }
0x3b: {  	_ =	shalt  }
tec
execute0_lowered:
.L_overlay_start_1:
0x0: {  	(tag) =	ssettag $0x1  }
0x1: {  	s0 =	srdreg.scid;
	s5 =	rddreg [dreg:$0x0]  }
0x2: {  	s3 =	rddreg [dreg:$0x1];
	s1 =	sshll.u32 s0, $0x4  }
0x3: {  	s7 =	simm.s32 $0x1;
	s0 =	stileid.u32;
	s1 =	sand.u32 $0x10, s1  }
0x4: {  	s8 =	simm.s32 $0x2;
	s15 =	simm.s32 $0x0;
	s1 =	sor.u32 s0, s1  }
0x5: {  	s14 =	simm.s32 $0x0;
	s9 =	simm.s32 $0x0;
	s2 =	sshll.u32 s1, $0x7  }
0x6: {  	s10 =	simm.s32 $0x0;
	s11 =	simm.s32 $0x0;
	s6 =	ssub.s32 $0x4000, s2  }
0x7: {  	s13 =	simm.s32 $0x0;
	s5 =	sadd.s32 $0xFA800, s5;
	s4 =	sand.u32 $0xF80, s6  }
.Ltmp0:
0x8: {  	s1 =	rddreg [dreg:$0x2];
	p0 =	sne.s32 s4, $0x0;
	(pc) =	sbr.rel .LBB1_1-.Ltmp0, $4  }
0x9: {  	_ =	strace $0x8000004A;
	s6 =	sshrl.u32 s6, $0xC;
	s7 =	simm.s32 @!p0 $0x0  }
0xa: {  	s12 =	smov.u32 s2;
	s4 =	simm.s32 $0x1;
	s6 =	sadd.s32 s7, s6  }
0xb: {  	[sflag:s4] =	ssyncpa.u1 $0x0;
	p0 =	por $0x0, $0x0;
	s6 =	sshll.u32 s6, $0x3  }
0xc: {  	[sflag:s8] =	ssyncpa.u1 $0x0;
	s8 =	simm.s32 $0x20000;
	s7 =	sor.u32 $0x1, s6  }
.LBB1_4:
0xd: {  	s20 =	sshra.s32 s20, $0x2  }
0xe: {  	s28 =	sand.u32 $0x78, s10;
	s21 =	sshll.u32 s9, $0xE;
	s22 =	sshll.u32 s10, $0x3  }
0xf: {  	s24 =	sshll.u32 s9, $0x7;
	p1 =	sgt.s32 s9, $0x368;
	s30 =	sshra.s32 s9, $0x1F  }
0x10: {  	s26 =	sshra.s32 s10, $0x1F;
	s19 =	sadd.s32 s20, s19;
	s21 =	sand.u32 $0xFFFE0000, s21  }
0x11: {  	v5 =	vld [tilespmem:s17+$0xFFFFFFD0];
	[tilespmem:s18+$0x2040 ss:$0x81] =	vst.msk $0xffff, v4;
	s23 =	sand.u32 $0xFFFFFC00, s22;
	s29 =	sand.u32 $0x380, s24;
	s22 =	sand.u32 $0x3C00, s22  }
0x12: {  	v58 =	vld [tilespmem:s17+$0xFFFFFFE0];
	[tilespmem:s18+$0x2850 ss:$0x81] =	vst.msk $0xffff, v3;
	s21 =	sadd.s32 s23, s21;
	s20 =	sor.u32 s28, s22;
	s22 =	smov.u32 s9  }
0x13: {  	v59 =	vld [tilespmem:s17+$0xFFFFFFF0];
	[tilespmem:s18+$0x3060 ss:$0x81] =	vst.msk $0xffff, v2;
	s24 =	sand.u32 s30, s9;
	s21 =	sshrl.u32 s21, $0xE;
	s22 =	simm.s32 @!p1 $0x368  }
0x14: {  	v60 =	vld [tilespmem:s17+$0x0];
	[tilespmem:s18+$0x0 ss:$0x81] =	vst.msk $0xffff, v1;
	p1 =	sgt.s32 s10, $0x3F80;
	s31 =	ssub.s32 s22, s24;
	s22 =	smov.u32 s10  }
0x15: {  	v61 =	vld [tilespmem:s17+$0x10];
	[tilespmem:s19+$0x3870 ss:$0x81] =	vst.msk $0xffff, v0;
	s25 =	smulhi.u32 $0x418938, s21;
	s24 =	sand.u32 s26, s10;
	s22 =	simm.s32 @!p1 $0x3F80  }
0x16: {  	v62 =	vld [tilespmem:s17+$0x20];
	s20 =	sor.u32 s29, s20;
	[tilespmem:s19+$0x810 ss:$0x81] =	vst.msk $0xffff, v5;
	s27 =	sadd.s32 $0xFFFFFC98, s31;
	s22 =	ssub.s32 s22, s24  }
0x17: {  	v63 =	vld [tilespmem:s17+$0xFFFFFFC0];
	[tilespmem:s19+$0x1020 ss:$0x81] =	vst.msk $0xffff, v58;
	s18 =	ssub.s32 $0x3E8, s31;
	s28 =	smul.u32 $0x3E8, s25;
	s29 =	sadd.s32 $0xFFFFC080, s22  }
0x18: {  	[tilespmem:s19+$0x1830 ss:$0x81] =	vst.msk $0xffff, v59;
	p1 =	sgt.s32 s27, $0x7F;
	s22 =	ssub.s32 $0x4000, s22;
	p2 =	sgt.s32 s29, $0x7F  }
0x19: {  	s30 =	sand.u32 $0x7, s10;
	[tilespmem:s19+$0x2040 ss:$0x81] =	vst.msk $0xffff, v60;
	s18 =	simm.s32 @p1 $0x0;
	s22 =	simm.s32 @p2 $0x0  }
0x1a: {  	s20 =	sshrl.u32 s20, $0x3;
	[tilespmem:s19+$0x2850 ss:$0x81] =	vst.msk $0xffff, v61;
	s17 =	ssub.s32 s21, s28;
	s18 =	smul.u32 s22, s18  }
0x1b: {  	[tilespmem:s19+$0x3060 ss:$0x81] =	vst.msk $0xffff, v62;
	s20 =	sadd.s32 s3, s20;
	s21 =	sshll.u32 s30, $0x12;
	s17 =	sshll.u32 s17, $0xB  }
0x1c: {  	[tilespmem:s19+$0x0 ss:$0x81] =	vst.msk $0xffff, v63;
	s31 =	sor.u32 $0x400, s21;
	s17 =	sadd.s32 s17, s20;
	s18 =	sand.u32 $0x3FFFFFFF, s18  }
0x1d: {  	[hbm4b:s17+s31] =	stream.strided.scatter [tilespmem:s16], [sflag:$0x2], s18, s8, s31, $0x20;
	[tilespmem:$0x10100] =	vst v63  }
.LBB1_5:
0x1e: {  	p1 =	slt.u32 s13, $0x2  }
0x1f: {  	s17 =	smov.u32 s15;
	p2 =	sgt.s32 @!p1 s15, $0x368;
	s16 =	sshra.s32 @!p1 s15, $0x1F  }
0x20: {  	p3 =	sgt.s32 @!p1 s14, $0x3F80;
	s18 =	sshra.s32 @!p1 s14, $0x1F;
	p2 =	por !p2, p1  }
0x21: {  	s15 =	sand.u32 @!p1 s16, s15;
	p3 =	por !p3, p1;
	s16 =	smov.u32 s14  }
0x22: {  	s14 =	sand.u32 @!p1 s18, s14;
	s17 =	simm.s32 @p2 $0x368;
	s16 =	simm.s32 @p3 $0x3F80  }
0x23: {  	s15 =	ssub.s32 @!p1 s17, s15;
	s14 =	ssub.s32 @!p1 s16, s14  }
0x24: {  	s18 =	smov.u32 s12;
	s16 =	sadd.s32 @!p1 $0xFFFFFC98, s15;
	s17 =	sadd.s32 @!p1 $0xFFFFC080, s14  }
0x25: {  	s15 =	ssub.s32 @!p1 $0x3E8, s15;
	p2 =	sgt.s32 @!p1 s16, $0x7F;
	p3 =	sgt.s32 @!p1 s17, $0x7F  }
0x26: {  	s14 =	ssub.s32 @!p1 $0x4000, s14;
	p2 =	por !p2, p1;
	p3 =	por !p3, p1  }
0x27: {  	s16 =	sadd.s32 $0x80, s11;
	s15 =	simm.s32 @!p2 $0x0;
	s14 =	simm.s32 @!p3 $0x0  }
0x28: {  	p2 =	sgt.s32 s16, $0x3E7;
	s14 =	smul.u32 @!p1 s14, s15;
	s15 =	sadd.s32 $0x1000, s12  }
0x29: {  	s18 =	smov.u32 @p2 s15  }
0x2a: {  	s16 =	simm.s32 @p2 $0x0;
	p2 =	sgt.s32 s18, $0x3FFF  }
0x2b: {  	s18 =	smov.u32 @p2 s2;
	p2 =	sne.s32 s13, s7  }
.Ltmp1:
0x2c: {  	p0 =	por !p0, !p0;
	s17 =	simm.s32 @!p1 $0x2;
	(pc) =	sbr.rel @!p2 .LBB1_6-.Ltmp1, $4  }
0x2d: {  	s15 =	smov.u32 s9;
	s9 =	smov.u32 s11;
	s14 =	sand.u32 @!p1 $0x3FFFFFFF, s14  }
0x2e: {  	s11 =	smov.u32 s16;
	_ =	swait.ge @!p1 [sflag:s17], s14;
	s19 =	ssub.s32 @!p1 $0x0, s14  }
0x2f: {  	s14 =	smov.u32 s10;
	s13 =	sadd.s32 $0x1, s13;
	[sflag:s17] =	ssyncset.done @!p1 $0x0  }
0x30: {  	s10 =	smov.u32 s12;
	s12 =	smov.u32 s18;
	[sflag:s17] =	ssyncadd.s32 @!p1 s19  }
.LBB1_1:
0x31: {  	p1 =	sge.u32 s13, s6  }
0x32: {  	s31 =	sadd.s32 $0xFFFFFFFF, s13;
	s16 =	sshll.u32 @!p1 s12, $0xA  }
0x33: {  	s17 =	sshll.u32 @!p1 s11, $0x3;
	s18 =	sshll.u32 @!p1 s12, $0x7;
	s16 =	sand.u32 @!p1 $0xFFE000, s16  }
0x34: {  	s19 =	sand.u32 @!p1 $0x78, s11;
	s16 =	sadd.s32 @!p1 s16, s17;
	s17 =	sand.u32 @!p1 $0x380, s18  }
0x35: {  	s18 =	sxor.u32 @!p1 $0xFFFFFFFF, s13;
	s16 =	sand.u32 @!p1 $0xFFFC00, s16;
	s17 =	sor.u32 @!p1 s17, s19  }
0x36: {  	s18 =	sshll.u32 @!p1 s18, $0xE;
	s16 =	sor.u32 @!p1 s16, s17;
	s17 =	sand.u32 @!p1 $0x7, s11  }
0x37: {  	s19 =	simm.s32 @!p1 $0x2000;
	s16 =	sshrl.u32 @!p1 s16, $0x3;
	s17 =	sshll.u32 @!p1 s17, $0x12  }
0x38: {  	s18 =	sand.u32 @!p1 $0x4000, s18;
	s16 =	sadd.s32 @!p1 s5, s16;
	s17 =	sor.u32 @!p1 $0x400, s17  }
0x39: {  	[tilespmem:s18], [sflag:$0x1] =	stream.strided.gather @!p1 [hbm4b:s16+s17], $0x4000, s19, s17, $0x38;
	[tilespmem:$0x10100] =	vst v63  }
0x3a: {  	p1 =	sge.u32 s31, s6  }
.Ltmp2:
0x3b: {  	_ = 	snop;
	(pc) =	sbr.rel @p1 .LBB1_5-.Ltmp2, $1  }
0x3c: {  	_ =	sdelay $0x3  }
0x3d: {  	s16 =	simm.s32 $0x1  }
0x3e: {  	_ =	swait.ge [sflag:s4], $0x4000;
	s16 =	simm.s32 @!p0 $0x0  }
0x3f: {  	[sflag:s4] =	ssyncset.done $0x0;
	s17 =	sshll.u32 s16, $0xE  }
0x40: {  	[sflag:s4] =	ssyncadd.s32 $0xFFFFC000;
	s17 =	sor.u32 $0x40, s17  }
0x41: {  	s16 =	smul.u32 $0x10200, s16;
	v0 =	vld [tilespmem:s17+$0x30]  }
0x42: {  	v1 =	vld [tilespmem:s17+$0xFFFFFFD0]  }
0x43: {  	s16 =	sshrl.u32 s16, $0x2;
	v5 =	vld [tilespmem:s17+$0xFFFFFFE0]  }
0x44: {  	v6 =	vld [tilespmem:s17+$0xFFFFFFF0];
	s19 =	sor.u32 $0x8000, s16  }
0x45: {  	s31 =	sand.u32 $0x1, s13;
	v4 =	vld [tilespmem:s17+$0x0];
	s18 =	sadd.s32 $0x0, s19  }
0x46: {  	v3 =	vld [tilespmem:s17+$0x10];
	s16 =	smul.u32 $0x10200, s31;
	[tilespmem:s18+$0x3870 ss:$0x81] =	vst.msk $0xffff, v0  }
0x47: {  	v2 =	vld [tilespmem:s17+$0x20];
	[tilespmem:s18+$0x810 ss:$0x81] =	vst.msk $0xffff, v1  }
0x48: {  	s16 =	sshrl.u32 s16, $0x2;
	v1 =	vld [tilespmem:s17+$0xFFFFFFC0];
	[tilespmem:s18+$0x1020 ss:$0x81] =	vst.msk $0xffff, v5;
	s17 =	sadd.s32 $0x80, s17  }
0x49: {  	s20 =	simm.s32 $0x4;
	s21 =	simm.s32 $0x8;
	s16 =	sor.u32 $0x8000, s16;
	[tilespmem:s18+$0x1830 ss:$0x81] =	vst.msk $0xffff, v6;
	v0 =	vld [tilespmem:s17+$0x30]  }
.LBB1_3:
0x4a: {  	p1 =	sne.s32 s21, $0x1FC;
	v5 =	vld [tilespmem:s17+$0xFFFFFFD0];
	[tilespmem:s18+$0x2040 ss:$0x81] =	vst.msk $0xffff, v4  }
0x4b: {  	v6 =	vld [tilespmem:s17+$0xFFFFFFE0];
	[tilespmem:s18+$0x2850 ss:$0x81] =	vst.msk $0xffff, v3  }
0x4c: {  	s22 =	sshra.s32 s20, $0x2;
	s20 =	smov.u32 s21;
	v7 =	vld [tilespmem:s17+$0xFFFFFFF0];
	[tilespmem:s18+$0x3060 ss:$0x81] =	vst.msk $0xffff, v2  }
.Ltmp3:
0x4d: {  	v4 =	vld [tilespmem:s17+$0x0];
	[tilespmem:s18+$0x0 ss:$0x81] =	vst.msk $0xffff, v1;
	s18 =	sadd.s32 s22, s19;
	(pc) =	sbr.rel @p1 .LBB1_3-.Ltmp3, $4  }
0x4e: {  	v3 =	vld [tilespmem:s17+$0x10];
	[tilespmem:s18+$0x3870 ss:$0x81] =	vst.msk $0xffff, v0  }
0x4f: {  	[tilespmem:s18+$0x810 ss:$0x81] =	vst.msk $0xffff, v5;
	v2 =	vld [tilespmem:s17+$0x20]  }
0x50: {  	v1 =	vld [tilespmem:s17+$0xFFFFFFC0];
	[tilespmem:s18+$0x1020 ss:$0x81] =	vst.msk $0xffff, v6;
	s17 =	sadd.s32 $0x80, s17  }
0x51: {  	s21 =	sadd.s32 $0x4, s21;
	v0 =	vld [tilespmem:s17+$0x30];
	[tilespmem:s18+$0x1830 ss:$0x81] =	vst.msk $0xffff, v7  }
.Ltmp4:
0x52: {  	_ = 	snop;
	(pc) =	sbr.rel .LBB1_4-.Ltmp4, $1  }
0x53: {  	_ =	sdelay $0x3  }
.LBB1_6:
0x54: {  	_ =	sfence.sel $0x180000  }
0x55: {  	s2 =	simm.s32 $0x1;
	[bflag:$0x0] =	sbarrier.arrive $0xFFFF  }
0x56: {  	s31 =	simm.s32 $0x2;
	[sflag:s2] =	ssyncpa.u1 $0x1  }
0x57: {  	[sflag:s31] =	ssyncpa.u1 $0x1  }
0x58: {  	p0 =	sne.s32 s0, $0x0;
	_ =	strace $0x9000004A  }
0x59: {  	s0 =	sadd.s32 @!p0 $0x100000, s1;
	[bflag:$0x2] =	sbarrier.arrive $0xFFFF  }
0x5a: {  	[sflag:s0] =	ssyncadd.tile.s32 @!p0 $0x1;
	_ =	shalt  }
.Lfunc_end1:
_tile_overlayer_lowered:
.L_overlay_start_2:
0x5b: {  	(tag) =	ssettag $0x2  }
0x5c: {  	s0 =	rddreg [dreg:$0x0];
	s2 =	stileid.u32  }
0x5d: {  	s1 =	rddreg [dreg:$0x1];
	p0 =	sne.s32 s2, $0x0  }
0x5e: {  	s3 =	rddreg [dreg:$0x2];
	[bflag:$0x3] =	sbarrier.arrive $0xFFFF;
	s2 =	simm.s32 @!p0 $0x1C01  }
0x5f: {  	[timem:s3], [sflag:s2] =	dma.local @!p0 [hbm:s0], s1  }
0x60: {  	s0 =	simm.s32 @!p0 $0x1  }
0x61: {  	_ =	swait.ge @!p0 [sflag:s0], s1  }
0x62: {  	s1 =	ssub.s32 @!p0 $0x0, s1;
	[sflag:s0] =	ssyncset.done @!p0 $0x0  }
0x63: {  	[sflag:s0] =	ssyncadd.s32 @!p0 s1  }
0x64: {  	[bflag:$0x3] =	sbarrier.arrive $0xFFFF  }
0x65: {  	_ =	shalt  }

</sc_bundles>
